<compile_context>
chip_gen: v7x
topology: tpu7x:2x2x1
jax: 0.10.2.dev20260603
libtpu: 0.0.44.dev20260713+nightly
codegen_flags: <defaults>
</compile_context>

<pallas_src>
import functools

import jax
import jax.numpy as jnp
from jax import lax
from jax.experimental import pallas as pl
from jax.experimental.pallas import tpu as pltpu
from jax.experimental.pallas import tpu_sc as plsc

_B = 16384
_D = 32
_H1 = 64
_LANES = 128
_NC = 2
_NS = 16
_NW = _NC * _NS
_BPW = _B // _NW
_K = 4
_GRP = 16
_NGR = _BPW // _GRP
_CH = 128


@functools.cache
def _gather_kernel():
    mesh = plsc.VectorSubcoreMesh(core_axis_name="c", subcore_axis_name="s")

    @functools.partial(
        pl.kernel,
        mesh=mesh,
        compiler_params=pltpu.CompilerParams(needs_layout_passes=False),
        out_type=(
            jax.ShapeDtypeStruct((_B, _D), jnp.float32),
            jax.ShapeDtypeStruct((_B, _D), jnp.float32),
        ),
        scratch_types=(
            [pltpu.VMEM((_NGR, _GRP), jnp.int32),
             pltpu.VMEM((_NGR, _GRP), jnp.int32),
             pltpu.VMEM((_K, _D, _LANES), jnp.float32),
             pltpu.VMEM((_K, _D, _LANES), jnp.float32),
             pltpu.VMEM((_CH, _D), jnp.float32),
             pltpu.VMEM((_CH, _D), jnp.float32)]
            + [pltpu.SemaphoreType.DMA] * (2 * _K)
        ),
    )
    def gather(users_hbm, items_hbm, utabT, itabT, xu_hbm, xi_hbm,
               uidx_v, iidx_v, ublk, iblk, uout, iout, *sems):
        usem = sems[:_K]
        isem = sems[_K:]
        wid = lax.axis_index("s") * _NC + lax.axis_index("c")
        base = wid * _BPW
        pltpu.sync_copy(users_hbm.at[wid], uidx_v)
        pltpu.sync_copy(items_hbm.at[wid], iidx_v)
        rows0 = lax.broadcasted_iota(jnp.int32, (16,), 0)
        zeros = jnp.zeros((16,), jnp.int32)

        def scalar_idx(idx_v, r):
            v = idx_v[r >> 4]
            return lax.reduce_sum(jnp.where(rows0 == (r & 15), v, zeros),
                                  axes=(0,))

        def fire(tab, idx_v, blk, sem, r, b):
            i = scalar_idx(idx_v, r)
            off = pl.multiple_of((i >> 7) * _LANES, _LANES)
            pltpu.async_copy(tab.at[:, pl.ds(off, _LANES)], blk.at[b], sem[b])

        def wait(tab, blk, sem, b):
            pltpu.make_async_copy(tab.at[:, pl.ds(0, _LANES)], blk.at[b],
                                  sem[b]).wait()

        def extract(idx_v, blk, out_v, r, b):
            i = scalar_idx(idx_v, r)
            lane = jnp.full((16,), i & (_LANES - 1), jnp.int32)
            g0 = plsc.load_gather(blk.at[b], [rows0, lane])
            g1 = plsc.load_gather(blk.at[b], [rows0 + 16, lane])
            rr = jnp.full((16,), r & (_CH - 1), jnp.int32)
            plsc.store_scatter(out_v, [rr, rows0], g0)
            plsc.store_scatter(out_v, [rr, rows0 + 16], g1)

        for k in range(_K):
            fire(utabT, uidx_v, ublk, usem, k, k)
            fire(itabT, iidx_v, iblk, isem, k, k)

        nwave = _BPW // _K

        def body(w, _):
            for k in range(_K):
                r = w * _K + k
                wait(utabT, ublk, usem, k)
                extract(uidx_v, ublk, uout, r, k)
                wait(itabT, iblk, isem, k)
                extract(iidx_v, iblk, iout, r, k)

                @pl.when(w + 1 < nwave)
                def _():
                    fire(utabT, uidx_v, ublk, usem, r + _K, k)
                    fire(itabT, iidx_v, iblk, isem, r + _K, k)

            @pl.when((w & ((_CH // _K) - 1)) == (_CH // _K) - 1)
            def _():
                coff = (w >> 5) * _CH
                pltpu.sync_copy(uout, xu_hbm.at[pl.ds(base + coff, _CH)])
                pltpu.sync_copy(iout, xi_hbm.at[pl.ds(base + coff, _CH)])
            return 0

        lax.fori_loop(0, nwave, body, 0)

    return gather


def _mlp_body(xu_ref, xi_ref, w1u_ref, w1i_ref, b1_ref, w2_ref, b2_ref,
              out_ref):
    h = (jnp.dot(xu_ref[...], w1u_ref[...], preferred_element_type=jnp.float32)
         + jnp.dot(xi_ref[...], w1i_ref[...], preferred_element_type=jnp.float32)
         + b1_ref[...])
    h = jnp.maximum(h, 0.0)
    out_ref[...] = (
        jnp.dot(h, w2_ref[...], preferred_element_type=jnp.float32) + b2_ref[...])


@functools.cache
def _mlp_call(blk):
    grid = (_B // blk,)
    return pl.pallas_call(
        _mlp_body,
        grid=grid,
        in_specs=[
            pl.BlockSpec((blk, _D), lambda i: (i, 0)),
            pl.BlockSpec((blk, _D), lambda i: (i, 0)),
            pl.BlockSpec((_D, _H1), lambda i: (0, 0)),
            pl.BlockSpec((_D, _H1), lambda i: (0, 0)),
            pl.BlockSpec((1, _H1), lambda i: (0, 0)),
            pl.BlockSpec((_H1, 1), lambda i: (0, 0)),
            pl.BlockSpec((1, 1), lambda i: (0, 0)),
        ],
        out_specs=pl.BlockSpec((blk, 1), lambda i: (i, 0)),
        out_shape=jax.ShapeDtypeStruct((_B, 1), jnp.float32),
    )


def kernel(users, items, user_table, item_table, W1, b1, W2, b2):
    users_r = users.reshape(_NW, _NGR, _GRP)
    items_r = items.reshape(_NW, _NGR, _GRP)
    xu, xi = _gather_kernel()(users_r, items_r, user_table.T, item_table.T)
    w1u_t = W1[:, :_D].T
    w1i_t = W1[:, _D:].T
    return _mlp_call(2048)(
        xu, xi, w1u_t, w1i_t, b1.reshape(1, _H1), W2.T, b2.reshape(1, 1))

# --- scband reference (transcript-rebuilt; emitter-appended) ---
"""Pipeline reference for scband-recommender-net-40218073760357 (READ-ONLY COPY).

The authoritative reference and input builder live on the scoring server;
editing this copy changes nothing except your own understanding.
"""

import jax, jax.numpy as jnp
import numpy as np

N_USERS = 1000000
N_ITEMS = 1000000
N_FACTORS = 32
H1 = 64
D_OUT = 1
BATCH = 16384


def setup_inputs(seed: int = 0) -> dict:
    key = jax.random.key(seed)
    k_u, k_i, k_ut, k_it, k_w1, k_b1, k_w2, k_b2 = jax.random.split(key, 8)
    users = jax.random.randint(k_u, (BATCH,), 0, N_USERS, dtype=jnp.int64) if jax.config.jax_enable_x64 else jax.random.randint(k_u, (BATCH,), 0, N_USERS, dtype=jnp.int32)
    items = jax.random.randint(k_i, (BATCH,), 0, N_ITEMS, dtype=jnp.int32)
    users = users.astype(jnp.int32)
    user_table = jax.random.normal(k_ut, (N_USERS, N_FACTORS), dtype=jnp.float32)
    item_table = jax.random.normal(k_it, (N_ITEMS, N_FACTORS), dtype=jnp.float32)
    bound1 = 1.0 / np.sqrt(2 * N_FACTORS)
    W1 = jax.random.uniform(k_w1, (H1, 2 * N_FACTORS), minval=-bound1, maxval=bound1, dtype=jnp.float32)
    b1 = jax.random.uniform(k_b1, (H1,), minval=-bound1, maxval=bound1, dtype=jnp.float32)
    bound2 = 1.0 / np.sqrt(H1)
    W2 = jax.random.uniform(k_w2, (D_OUT, H1), minval=-bound2, maxval=bound2, dtype=jnp.float32)
    b2 = jax.random.uniform(k_b2, (D_OUT,), minval=-bound2, maxval=bound2, dtype=jnp.float32)
    return {"users": users, "items": items, "user_table": user_table, "item_table": item_table, "W1": W1, "b1": b1, "W2": W2, "b2": b2}


def reference(users, items, user_table, item_table, W1, b1, W2, b2):
    # Embedding lookups (gather)
    users_embedding = jnp.take(user_table, users, axis=0)
    items_embedding = jnp.take(item_table, items, axis=0)
    x = jnp.concatenate([users_embedding, items_embedding], axis=1)
    # Note: original torch code has a bug (nn.ReLU(self.linear1(x)) constructs a Module);
    # the faithful *intended* computation is relu(linear1(x)).
    h1_relu = jax.nn.relu(x @ W1.T + b1)
    output_scores = h1_relu @ W2.T + b2
    return output_scores

if __name__ == "__main__":
    import jax
    _d = setup_inputs()
    print(jax.jit(kernel)(*tuple(_d.values())))

</pallas_src>

<mosaic_0001>
#map = affine_map<(d0, d1) -> (0, 0, 0)>
#map1 = affine_map<(d0, d1) -> (0, 0)>
module attributes {stable_mosaic.version = 14 : i64} {
  func.func @gather(%arg0: i32, %arg1: i32, %arg2: memref<32x32x16xi32, #tpu.memory_space<hbm>>, %arg3: memref<32x32x16xi32, #tpu.memory_space<hbm>>, %arg4: memref<32x1000000xf32, #tpu.memory_space<hbm>>, %arg5: memref<32x1000000xf32, #tpu.memory_space<hbm>>, %arg6: memref<16384x32xf32, #tpu.memory_space<hbm>>, %arg7: memref<16384x32xf32, #tpu.memory_space<hbm>>, %arg8: memref<32x16xi32, #tpu.memory_space<vmem>>, %arg9: memref<32x16xi32, #tpu.memory_space<vmem>>, %arg10: memref<4x32x128xf32, #tpu.memory_space<vmem>>, %arg11: memref<4x32x128xf32, #tpu.memory_space<vmem>>, %arg12: memref<128x32xf32, #tpu.memory_space<vmem>>, %arg13: memref<128x32xf32, #tpu.memory_space<vmem>>, %arg14: memref<!tpu.dma_semaphore, #tpu.memory_space<semaphore_mem>>, %arg15: memref<!tpu.dma_semaphore, #tpu.memory_space<semaphore_mem>>, %arg16: memref<!tpu.dma_semaphore, #tpu.memory_space<semaphore_mem>>, %arg17: memref<!tpu.dma_semaphore, #tpu.memory_space<semaphore_mem>>, %arg18: memref<!tpu.dma_semaphore, #tpu.memory_space<semaphore_mem>>, %arg19: memref<!tpu.dma_semaphore, #tpu.memory_space<semaphore_mem>>, %arg20: memref<!tpu.dma_semaphore, #tpu.memory_space<semaphore_mem>>, %arg21: memref<!tpu.dma_semaphore, #tpu.memory_space<semaphore_mem>>) attributes {dimension_semantics = [#tpu.dimension_semantics<core_parallel>, #tpu.dimension_semantics<subcore_parallel>], iteration_bounds = array<i64: 2, 16>, scalar_prefetch = 0 : i64, scratch_operands = 14 : i64, tpu.core_type = #tpu.core_type<sc_vector_subcore>, window_params = [{transform_indices = #map}, {transform_indices = #map}, {transform_indices = #map1}, {transform_indices = #map1}, {transform_indices = #map1}, {transform_indices = #map1}]} {
    %mul3A = arith.constant 2 : i32
    %mul3A_0 = arith.muli %arg1, %mul3A : i32
    %add3A = arith.addi %mul3A_0, %arg0 : i32
    %mul3A_1 = arith.constant 512 : i32
    %mul3A_2 = arith.muli %add3A, %mul3A_1 : i32
    "tpu.region"() ({
      %run_scoped3A = tpu.sem_alloc : memref<!tpu.dma_semaphore, #tpu.memory_space<semaphore_mem>>
      %dma_start3A_243 = arith.constant 0 : i32
      %dma_start3A_244 = arith.constant 0 : i32
      %dma_start3A_245 = tpu.memref_slice %arg2[%add3A, %dma_start3A_243, %dma_start3A_244] : memref<32x32x16xi32, #tpu.memory_space<hbm>> -> memref<1x32x16xi32, #tpu.memory_space<hbm>>
      %dma_start3A_246 = tpu.memref_squeeze %dma_start3A_245 : memref<1x32x16xi32, #tpu.memory_space<hbm>> -> memref<32x16xi32, #tpu.memory_space<hbm>>
      %dma_start3A_247 = arith.constant 0 : i32
      %dma_start3A_248 = arith.constant 0 : i32
      %dma_start3A_249 = tpu.memref_slice %arg2[%add3A, %dma_start3A_247, %dma_start3A_248] : memref<32x32x16xi32, #tpu.memory_space<hbm>> -> memref<1x32x16xi32, #tpu.memory_space<hbm>>
      %dma_start3A_250 = tpu.memref_squeeze %dma_start3A_249 : memref<1x32x16xi32, #tpu.memory_space<hbm>> -> memref<32x16xi32, #tpu.memory_space<hbm>>
      tpu.enqueue_dma source(%dma_start3A_250 : memref<32x16xi32, #tpu.memory_space<hbm>>) target(%arg8 : memref<32x16xi32, #tpu.memory_space<vmem>>) target_semaphore(%run_scoped3A : memref<!tpu.dma_semaphore, #tpu.memory_space<semaphore_mem>>)
      %dma_wait3A = arith.constant 0 : i32
      %dma_wait3A_251 = arith.constant 0 : i32
      %dma_wait3A_252 = tpu.memref_slice %arg2[%add3A, %dma_wait3A, %dma_wait3A_251] : memref<32x32x16xi32, #tpu.memory_space<hbm>> -> memref<1x32x16xi32, #tpu.memory_space<hbm>>
      %dma_wait3A_253 = tpu.memref_squeeze %dma_wait3A_252 : memref<1x32x16xi32, #tpu.memory_space<hbm>> -> memref<32x16xi32, #tpu.memory_space<hbm>>
      %dma_wait3A_254 = arith.constant 0 : i32
      %dma_wait3A_255 = arith.constant 0 : i32
      %dma_wait3A_256 = tpu.memref_slice %arg2[%add3A, %dma_wait3A_254, %dma_wait3A_255] : memref<32x32x16xi32, #tpu.memory_space<hbm>> -> memref<1x32x16xi32, #tpu.memory_space<hbm>>
      %dma_wait3A_257 = tpu.memref_squeeze %dma_wait3A_256 : memref<1x32x16xi32, #tpu.memory_space<hbm>> -> memref<32x16xi32, #tpu.memory_space<hbm>>
      tpu.wait_dma2 semaphore(%run_scoped3A : memref<!tpu.dma_semaphore, #tpu.memory_space<semaphore_mem>>) src(%dma_wait3A_257 : memref<32x16xi32, #tpu.memory_space<hbm>>) dst(%arg8 : memref<32x16xi32, #tpu.memory_space<vmem>>)
      tpu.yield
    }) : () -> ()
    "tpu.region"() ({
      %run_scoped3A = tpu.sem_alloc : memref<!tpu.dma_semaphore, #tpu.memory_space<semaphore_mem>>
      %dma_start3A_243 = arith.constant 0 : i32
      %dma_start3A_244 = arith.constant 0 : i32
      %dma_start3A_245 = tpu.memref_slice %arg3[%add3A, %dma_start3A_243, %dma_start3A_244] : memref<32x32x16xi32, #tpu.memory_space<hbm>> -> memref<1x32x16xi32, #tpu.memory_space<hbm>>
      %dma_start3A_246 = tpu.memref_squeeze %dma_start3A_245 : memref<1x32x16xi32, #tpu.memory_space<hbm>> -> memref<32x16xi32, #tpu.memory_space<hbm>>
      %dma_start3A_247 = arith.constant 0 : i32
      %dma_start3A_248 = arith.constant 0 : i32
      %dma_start3A_249 = tpu.memref_slice %arg3[%add3A, %dma_start3A_247, %dma_start3A_248] : memref<32x32x16xi32, #tpu.memory_space<hbm>> -> memref<1x32x16xi32, #tpu.memory_space<hbm>>
      %dma_start3A_250 = tpu.memref_squeeze %dma_start3A_249 : memref<1x32x16xi32, #tpu.memory_space<hbm>> -> memref<32x16xi32, #tpu.memory_space<hbm>>
      tpu.enqueue_dma source(%dma_start3A_250 : memref<32x16xi32, #tpu.memory_space<hbm>>) target(%arg9 : memref<32x16xi32, #tpu.memory_space<vmem>>) target_semaphore(%run_scoped3A : memref<!tpu.dma_semaphore, #tpu.memory_space<semaphore_mem>>)
      %dma_wait3A = arith.constant 0 : i32
      %dma_wait3A_251 = arith.constant 0 : i32
      %dma_wait3A_252 = tpu.memref_slice %arg3[%add3A, %dma_wait3A, %dma_wait3A_251] : memref<32x32x16xi32, #tpu.memory_space<hbm>> -> memref<1x32x16xi32, #tpu.memory_space<hbm>>
      %dma_wait3A_253 = tpu.memref_squeeze %dma_wait3A_252 : memref<1x32x16xi32, #tpu.memory_space<hbm>> -> memref<32x16xi32, #tpu.memory_space<hbm>>
      %dma_wait3A_254 = arith.constant 0 : i32
      %dma_wait3A_255 = arith.constant 0 : i32
      %dma_wait3A_256 = tpu.memref_slice %arg3[%add3A, %dma_wait3A_254, %dma_wait3A_255] : memref<32x32x16xi32, #tpu.memory_space<hbm>> -> memref<1x32x16xi32, #tpu.memory_space<hbm>>
      %dma_wait3A_257 = tpu.memref_squeeze %dma_wait3A_256 : memref<1x32x16xi32, #tpu.memory_space<hbm>> -> memref<32x16xi32, #tpu.memory_space<hbm>>
      tpu.wait_dma2 semaphore(%run_scoped3A : memref<!tpu.dma_semaphore, #tpu.memory_space<semaphore_mem>>) src(%dma_wait3A_257 : memref<32x16xi32, #tpu.memory_space<hbm>>) dst(%arg9 : memref<32x16xi32, #tpu.memory_space<vmem>>)
      tpu.yield
    }) : () -> ()
    %iota3A = tpu.iota {dimensions = array<i32: 0>} : vector<16xi32>
    %broadcast_in_dim3A = arith.constant 0 : i32
    %broadcast_in_dim3A_3 = vector.broadcast %broadcast_in_dim3A : i32 to vector<16xi32>
    %get3A = arith.constant 0 : i32
    %get3A_4 = arith.index_cast %get3A : i32 to index
    %get3A_5 = arith.constant 0 : index
    %get3A_6 = tpu.vector_load %arg8[%get3A_4, %get3A_5] {strides = array<i32>} : memref<32x16xi32, #tpu.memory_space<vmem>>, vector<16xi32>,
    %eq3A = arith.constant 0 : i32
    %eq3A_7 = vector.broadcast %eq3A : i32 to vector<16xi32>
    %eq3A_8 = arith.cmpi eq, %iota3A, %eq3A_7 : vector<16xi32>
    %select_n3A = arith.select %eq3A_8, %get3A_6, %broadcast_in_dim3A_3 : vector<16xi1>, vector<16xi32>
    %reduce_sum3A = arith.constant true
    %reduce_sum3A_9 = vector.broadcast %reduce_sum3A : i1 to vector<16xi1>
    %reduce_sum3A_10 = tpu.scan <sum>, %select_n3A masked %reduce_sum3A_9 : vector<16xi32>, vector<16xi1> -> vector<16xi32>
    %reduce_sum3A_11 = vector.extract %reduce_sum3A_10[15] : i32 from vector<16xi32>
    %shift_right_arithmetic3A = arith.constant 7 : i32
    %shift_right_arithmetic3A_12 = arith.shrsi %reduce_sum3A_11, %shift_right_arithmetic3A : i32
    %mul3A_13 = arith.constant 128 : i32
    %mul3A_14 = arith.muli %shift_right_arithmetic3A_12, %mul3A_13 : i32
    %multiple_of3A = tpu.assume_multiple %mul3A_14, 128 : i32
    %dma_start3A = arith.constant 0 : i32
    %dma_start3A_15 = arith.constant 0 : i32
    %dma_start3A_16 = arith.constant 0 : i32
    %dma_start3A_17 = tpu.memref_slice %arg10[%dma_start3A, %dma_start3A_15, %dma_start3A_16] : memref<4x32x128xf32, #tpu.memory_space<vmem>> -> memref<1x32x128xf32, #tpu.memory_space<vmem>>
    %dma_start3A_18 = tpu.memref_squeeze %dma_start3A_17 : memref<1x32x128xf32, #tpu.memory_space<vmem>> -> memref<32x128xf32, #tpu.memory_space<vmem>>
    %dma_start3A_19 = arith.constant 0 : i32
    %dma_start3A_20 = tpu.memref_slice %arg4[%dma_start3A_19, %multiple_of3A] : memref<32x1000000xf32, #tpu.memory_space<hbm>> -> memref<32x128xf32, #tpu.memory_space<hbm>>
    %dma_start3A_21 = arith.constant 0 : i32
    %dma_start3A_22 = arith.constant 0 : i32
    %dma_start3A_23 = tpu.memref_slice %arg10[%dma_start3A, %dma_start3A_21, %dma_start3A_22] : memref<4x32x128xf32, #tpu.memory_space<vmem>> -> memref<1x32x128xf32, #tpu.memory_space<vmem>>
    %dma_start3A_24 = tpu.memref_squeeze %dma_start3A_23 : memref<1x32x128xf32, #tpu.memory_space<vmem>> -> memref<32x128xf32, #tpu.memory_space<vmem>>
    %dma_start3A_25 = arith.constant 0 : i32
    %dma_start3A_26 = tpu.memref_slice %arg4[%dma_start3A_25, %multiple_of3A] : memref<32x1000000xf32, #tpu.memory_space<hbm>> -> memref<32x128xf32, #tpu.memory_space<hbm>>
    tpu.enqueue_dma source(%dma_start3A_26 : memref<32x128xf32, #tpu.memory_space<hbm>>) target(%dma_start3A_24 : memref<32x128xf32, #tpu.memory_space<vmem>>) target_semaphore(%arg14 : memref<!tpu.dma_semaphore, #tpu.memory_space<semaphore_mem>>)
    %get3A_27 = arith.constant 0 : i32
    %get3A_28 = arith.index_cast %get3A_27 : i32 to index
    %get3A_29 = arith.constant 0 : index
    %get3A_30 = tpu.vector_load %arg9[%get3A_28, %get3A_29] {strides = array<i32>} : memref<32x16xi32, #tpu.memory_space<vmem>>, vector<16xi32>,
    %eq3A_31 = arith.constant 0 : i32
    %eq3A_32 = vector.broadcast %eq3A_31 : i32 to vector<16xi32>
    %eq3A_33 = arith.cmpi eq, %iota3A, %eq3A_32 : vector<16xi32>
    %select_n3A_34 = arith.select %eq3A_33, %get3A_30, %broadcast_in_dim3A_3 : vector<16xi1>, vector<16xi32>
    %reduce_sum3A_35 = arith.constant true
    %reduce_sum3A_36 = vector.broadcast %reduce_sum3A_35 : i1 to vector<16xi1>
    %reduce_sum3A_37 = tpu.scan <sum>, %select_n3A_34 masked %reduce_sum3A_36 : vector<16xi32>, vector<16xi1> -> vector<16xi32>
    %reduce_sum3A_38 = vector.extract %reduce_sum3A_37[15] : i32 from vector<16xi32>
    %shift_right_arithmetic3A_39 = arith.constant 7 : i32
    %shift_right_arithmetic3A_40 = arith.shrsi %reduce_sum3A_38, %shift_right_arithmetic3A_39 : i32
    %mul3A_41 = arith.constant 128 : i32
    %mul3A_42 = arith.muli %shift_right_arithmetic3A_40, %mul3A_41 : i32
    %multiple_of3A_43 = tpu.assume_multiple %mul3A_42, 128 : i32
    %dma_start3A_44 = arith.constant 0 : i32
    %dma_start3A_45 = arith.constant 0 : i32
    %dma_start3A_46 = arith.constant 0 : i32
    %dma_start3A_47 = tpu.memref_slice %arg11[%dma_start3A_44, %dma_start3A_45, %dma_start3A_46] : memref<4x32x128xf32, #tpu.memory_space<vmem>> -> memref<1x32x128xf32, #tpu.memory_space<vmem>>
    %dma_start3A_48 = tpu.memref_squeeze %dma_start3A_47 : memref<1x32x128xf32, #tpu.memory_space<vmem>> -> memref<32x128xf32, #tpu.memory_space<vmem>>
    %dma_start3A_49 = arith.constant 0 : i32
    %dma_start3A_50 = tpu.memref_slice %arg5[%dma_start3A_49, %multiple_of3A_43] : memref<32x1000000xf32, #tpu.memory_space<hbm>> -> memref<32x128xf32, #tpu.memory_space<hbm>>
    %dma_start3A_51 = arith.constant 0 : i32
    %dma_start3A_52 = arith.constant 0 : i32
    %dma_start3A_53 = tpu.memref_slice %arg11[%dma_start3A_44, %dma_start3A_51, %dma_start3A_52] : memref<4x32x128xf32, #tpu.memory_space<vmem>> -> memref<1x32x128xf32, #tpu.memory_space<vmem>>
    %dma_start3A_54 = tpu.memref_squeeze %dma_start3A_53 : memref<1x32x128xf32, #tpu.memory_space<vmem>> -> memref<32x128xf32, #tpu.memory_space<vmem>>
    %dma_start3A_55 = arith.constant 0 : i32
    %dma_start3A_56 = tpu.memref_slice %arg5[%dma_start3A_55, %multiple_of3A_43] : memref<32x1000000xf32, #tpu.memory_space<hbm>> -> memref<32x128xf32, #tpu.memory_space<hbm>>
    tpu.enqueue_dma source(%dma_start3A_56 : memref<32x128xf32, #tpu.memory_space<hbm>>) target(%dma_start3A_54 : memref<32x128xf32, #tpu.memory_space<vmem>>) target_semaphore(%arg18 : memref<!tpu.dma_semaphore, #tpu.memory_space<semaphore_mem>>)
    %get3A_57 = arith.constant 0 : i32
    %get3A_58 = arith.index_cast %get3A_57 : i32 to index
    %get3A_59 = arith.constant 0 : index
    %get3A_60 = tpu.vector_load %arg8[%get3A_58, %get3A_59] {strides = array<i32>} : memref<32x16xi32, #tpu.memory_space<vmem>>, vector<16xi32>,
    %eq3A_61 = arith.constant 1 : i32
    %eq3A_62 = vector.broadcast %eq3A_61 : i32 to vector<16xi32>
    %eq3A_63 = arith.cmpi eq, %iota3A, %eq3A_62 : vector<16xi32>
    %select_n3A_64 = arith.select %eq3A_63, %get3A_60, %broadcast_in_dim3A_3 : vector<16xi1>, vector<16xi32>
    %reduce_sum3A_65 = arith.constant true
    %reduce_sum3A_66 = vector.broadcast %reduce_sum3A_65 : i1 to vector<16xi1>
    %reduce_sum3A_67 = tpu.scan <sum>, %select_n3A_64 masked %reduce_sum3A_66 : vector<16xi32>, vector<16xi1> -> vector<16xi32>
    %reduce_sum3A_68 = vector.extract %reduce_sum3A_67[15] : i32 from vector<16xi32>
    %shift_right_arithmetic3A_69 = arith.constant 7 : i32
    %shift_right_arithmetic3A_70 = arith.shrsi %reduce_sum3A_68, %shift_right_arithmetic3A_69 : i32
    %mul3A_71 = arith.constant 128 : i32
    %mul3A_72 = arith.muli %shift_right_arithmetic3A_70, %mul3A_71 : i32
    %multiple_of3A_73 = tpu.assume_multiple %mul3A_72, 128 : i32
    %dma_start3A_74 = arith.constant 1 : i32
    %dma_start3A_75 = arith.constant 0 : i32
    %dma_start3A_76 = arith.constant 0 : i32
    %dma_start3A_77 = tpu.memref_slice %arg10[%dma_start3A_74, %dma_start3A_75, %dma_start3A_76] : memref<4x32x128xf32, #tpu.memory_space<vmem>> -> memref<1x32x128xf32, #tpu.memory_space<vmem>>
    %dma_start3A_78 = tpu.memref_squeeze %dma_start3A_77 : memref<1x32x128xf32, #tpu.memory_space<vmem>> -> memref<32x128xf32, #tpu.memory_space<vmem>>
    %dma_start3A_79 = arith.constant 0 : i32
    %dma_start3A_80 = tpu.memref_slice %arg4[%dma_start3A_79, %multiple_of3A_73] : memref<32x1000000xf32, #tpu.memory_space<hbm>> -> memref<32x128xf32, #tpu.memory_space<hbm>>
    %dma_start3A_81 = arith.constant 0 : i32
    %dma_start3A_82 = arith.constant 0 : i32
    %dma_start3A_83 = tpu.memref_slice %arg10[%dma_start3A_74, %dma_start3A_81, %dma_start3A_82] : memref<4x32x128xf32, #tpu.memory_space<vmem>> -> memref<1x32x128xf32, #tpu.memory_space<vmem>>
    %dma_start3A_84 = tpu.memref_squeeze %dma_start3A_83 : memref<1x32x128xf32, #tpu.memory_space<vmem>> -> memref<32x128xf32, #tpu.memory_space<vmem>>
    %dma_start3A_85 = arith.constant 0 : i32
    %dma_start3A_86 = tpu.memref_slice %arg4[%dma_start3A_85, %multiple_of3A_73] : memref<32x1000000xf32, #tpu.memory_space<hbm>> -> memref<32x128xf32, #tpu.memory_space<hbm>>
    tpu.enqueue_dma source(%dma_start3A_86 : memref<32x128xf32, #tpu.memory_space<hbm>>) target(%dma_start3A_84 : memref<32x128xf32, #tpu.memory_space<vmem>>) target_semaphore(%arg15 : memref<!tpu.dma_semaphore, #tpu.memory_space<semaphore_mem>>)
    %get3A_87 = arith.constant 0 : i32
    %get3A_88 = arith.index_cast %get3A_87 : i32 to index
    %get3A_89 = arith.constant 0 : index
    %get3A_90 = tpu.vector_load %arg9[%get3A_88, %get3A_89] {strides = array<i32>} : memref<32x16xi32, #tpu.memory_space<vmem>>, vector<16xi32>,
    %eq3A_91 = arith.constant 1 : i32
    %eq3A_92 = vector.broadcast %eq3A_91 : i32 to vector<16xi32>
    %eq3A_93 = arith.cmpi eq, %iota3A, %eq3A_92 : vector<16xi32>
    %select_n3A_94 = arith.select %eq3A_93, %get3A_90, %broadcast_in_dim3A_3 : vector<16xi1>, vector<16xi32>
    %reduce_sum3A_95 = arith.constant true
    %reduce_sum3A_96 = vector.broadcast %reduce_sum3A_95 : i1 to vector<16xi1>
    %reduce_sum3A_97 = tpu.scan <sum>, %select_n3A_94 masked %reduce_sum3A_96 : vector<16xi32>, vector<16xi1> -> vector<16xi32>
    %reduce_sum3A_98 = vector.extract %reduce_sum3A_97[15] : i32 from vector<16xi32>
    %shift_right_arithmetic3A_99 = arith.constant 7 : i32
    %shift_right_arithmetic3A_100 = arith.shrsi %reduce_sum3A_98, %shift_right_arithmetic3A_99 : i32
    %mul3A_101 = arith.constant 128 : i32
    %mul3A_102 = arith.muli %shift_right_arithmetic3A_100, %mul3A_101 : i32
    %multiple_of3A_103 = tpu.assume_multiple %mul3A_102, 128 : i32
    %dma_start3A_104 = arith.constant 1 : i32
    %dma_start3A_105 = arith.constant 0 : i32
    %dma_start3A_106 = arith.constant 0 : i32
    %dma_start3A_107 = tpu.memref_slice %arg11[%dma_start3A_104, %dma_start3A_105, %dma_start3A_106] : memref<4x32x128xf32, #tpu.memory_space<vmem>> -> memref<1x32x128xf32, #tpu.memory_space<vmem>>
    %dma_start3A_108 = tpu.memref_squeeze %dma_start3A_107 : memref<1x32x128xf32, #tpu.memory_space<vmem>> -> memref<32x128xf32, #tpu.memory_space<vmem>>
    %dma_start3A_109 = arith.constant 0 : i32
    %dma_start3A_110 = tpu.memref_slice %arg5[%dma_start3A_109, %multiple_of3A_103] : memref<32x1000000xf32, #tpu.memory_space<hbm>> -> memref<32x128xf32, #tpu.memory_space<hbm>>
    %dma_start3A_111 = arith.constant 0 : i32
    %dma_start3A_112 = arith.constant 0 : i32
    %dma_start3A_113 = tpu.memref_slice %arg11[%dma_start3A_104, %dma_start3A_111, %dma_start3A_112] : memref<4x32x128xf32, #tpu.memory_space<vmem>> -> memref<1x32x128xf32, #tpu.memory_space<vmem>>
    %dma_start3A_114 = tpu.memref_squeeze %dma_start3A_113 : memref<1x32x128xf32, #tpu.memory_space<vmem>> -> memref<32x128xf32, #tpu.memory_space<vmem>>
    %dma_start3A_115 = arith.constant 0 : i32
    %dma_start3A_116 = tpu.memref_slice %arg5[%dma_start3A_115, %multiple_of3A_103] : memref<32x1000000xf32, #tpu.memory_space<hbm>> -> memref<32x128xf32, #tpu.memory_space<hbm>>
    tpu.enqueue_dma source(%dma_start3A_116 : memref<32x128xf32, #tpu.memory_space<hbm>>) target(%dma_start3A_114 : memref<32x128xf32, #tpu.memory_space<vmem>>) target_semaphore(%arg19 : memref<!tpu.dma_semaphore, #tpu.memory_space<semaphore_mem>>)
    %get3A_117 = arith.constant 0 : i32
    %get3A_118 = arith.index_cast %get3A_117 : i32 to index
    %get3A_119 = arith.constant 0 : index
    %get3A_120 = tpu.vector_load %arg8[%get3A_118, %get3A_119] {strides = array<i32>} : memref<32x16xi32, #tpu.memory_space<vmem>>, vector<16xi32>,
    %eq3A_121 = arith.constant 2 : i32
    %eq3A_122 = vector.broadcast %eq3A_121 : i32 to vector<16xi32>
    %eq3A_123 = arith.cmpi eq, %iota3A, %eq3A_122 : vector<16xi32>
    %select_n3A_124 = arith.select %eq3A_123, %get3A_120, %broadcast_in_dim3A_3 : vector<16xi1>, vector<16xi32>
    %reduce_sum3A_125 = arith.constant true
    %reduce_sum3A_126 = vector.broadcast %reduce_sum3A_125 : i1 to vector<16xi1>
    %reduce_sum3A_127 = tpu.scan <sum>, %select_n3A_124 masked %reduce_sum3A_126 : vector<16xi32>, vector<16xi1> -> vector<16xi32>
    %reduce_sum3A_128 = vector.extract %reduce_sum3A_127[15] : i32 from vector<16xi32>
    %shift_right_arithmetic3A_129 = arith.constant 7 : i32
    %shift_right_arithmetic3A_130 = arith.shrsi %reduce_sum3A_128, %shift_right_arithmetic3A_129 : i32
    %mul3A_131 = arith.constant 128 : i32
    %mul3A_132 = arith.muli %shift_right_arithmetic3A_130, %mul3A_131 : i32
    %multiple_of3A_133 = tpu.assume_multiple %mul3A_132, 128 : i32
    %dma_start3A_134 = arith.constant 2 : i32
    %dma_start3A_135 = arith.constant 0 : i32
    %dma_start3A_136 = arith.constant 0 : i32
    %dma_start3A_137 = tpu.memref_slice %arg10[%dma_start3A_134, %dma_start3A_135, %dma_start3A_136] : memref<4x32x128xf32, #tpu.memory_space<vmem>> -> memref<1x32x128xf32, #tpu.memory_space<vmem>>
    %dma_start3A_138 = tpu.memref_squeeze %dma_start3A_137 : memref<1x32x128xf32, #tpu.memory_space<vmem>> -> memref<32x128xf32, #tpu.memory_space<vmem>>
    %dma_start3A_139 = arith.constant 0 : i32
    %dma_start3A_140 = tpu.memref_slice %arg4[%dma_start3A_139, %multiple_of3A_133] : memref<32x1000000xf32, #tpu.memory_space<hbm>> -> memref<32x128xf32, #tpu.memory_space<hbm>>
    %dma_start3A_141 = arith.constant 0 : i32
    %dma_start3A_142 = arith.constant 0 : i32
    %dma_start3A_143 = tpu.memref_slice %arg10[%dma_start3A_134, %dma_start3A_141, %dma_start3A_142] : memref<4x32x128xf32, #tpu.memory_space<vmem>> -> memref<1x32x128xf32, #tpu.memory_space<vmem>>
    %dma_start3A_144 = tpu.memref_squeeze %dma_start3A_143 : memref<1x32x128xf32, #tpu.memory_space<vmem>> -> memref<32x128xf32, #tpu.memory_space<vmem>>
    %dma_start3A_145 = arith.constant 0 : i32
    %dma_start3A_146 = tpu.memref_slice %arg4[%dma_start3A_145, %multiple_of3A_133] : memref<32x1000000xf32, #tpu.memory_space<hbm>> -> memref<32x128xf32, #tpu.memory_space<hbm>>
    tpu.enqueue_dma source(%dma_start3A_146 : memref<32x128xf32, #tpu.memory_space<hbm>>) target(%dma_start3A_144 : memref<32x128xf32, #tpu.memory_space<vmem>>) target_semaphore(%arg16 : memref<!tpu.dma_semaphore, #tpu.memory_space<semaphore_mem>>)
    %get3A_147 = arith.constant 0 : i32
    %get3A_148 = arith.index_cast %get3A_147 : i32 to index
    %get3A_149 = arith.constant 0 : index
    %get3A_150 = tpu.vector_load %arg9[%get3A_148, %get3A_149] {strides = array<i32>} : memref<32x16xi32, #tpu.memory_space<vmem>>, vector<16xi32>,
    %eq3A_151 = arith.constant 2 : i32
    %eq3A_152 = vector.broadcast %eq3A_151 : i32 to vector<16xi32>
    %eq3A_153 = arith.cmpi eq, %iota3A, %eq3A_152 : vector<16xi32>
    %select_n3A_154 = arith.select %eq3A_153, %get3A_150, %broadcast_in_dim3A_3 : vector<16xi1>, vector<16xi32>
    %reduce_sum3A_155 = arith.constant true
    %reduce_sum3A_156 = vector.broadcast %reduce_sum3A_155 : i1 to vector<16xi1>
    %reduce_sum3A_157 = tpu.scan <sum>, %select_n3A_154 masked %reduce_sum3A_156 : vector<16xi32>, vector<16xi1> -> vector<16xi32>
    %reduce_sum3A_158 = vector.extract %reduce_sum3A_157[15] : i32 from vector<16xi32>
    %shift_right_arithmetic3A_159 = arith.constant 7 : i32
    %shift_right_arithmetic3A_160 = arith.shrsi %reduce_sum3A_158, %shift_right_arithmetic3A_159 : i32
    %mul3A_161 = arith.constant 128 : i32
    %mul3A_162 = arith.muli %shift_right_arithmetic3A_160, %mul3A_161 : i32
    %multiple_of3A_163 = tpu.assume_multiple %mul3A_162, 128 : i32
    %dma_start3A_164 = arith.constant 2 : i32
    %dma_start3A_165 = arith.constant 0 : i32
    %dma_start3A_166 = arith.constant 0 : i32
    %dma_start3A_167 = tpu.memref_slice %arg11[%dma_start3A_164, %dma_start3A_165, %dma_start3A_166] : memref<4x32x128xf32, #tpu.memory_space<vmem>> -> memref<1x32x128xf32, #tpu.memory_space<vmem>>
    %dma_start3A_168 = tpu.memref_squeeze %dma_start3A_167 : memref<1x32x128xf32, #tpu.memory_space<vmem>> -> memref<32x128xf32, #tpu.memory_space<vmem>>
    %dma_start3A_169 = arith.constant 0 : i32
    %dma_start3A_170 = tpu.memref_slice %arg5[%dma_start3A_169, %multiple_of3A_163] : memref<32x1000000xf32, #tpu.memory_space<hbm>> -> memref<32x128xf32, #tpu.memory_space<hbm>>
    %dma_start3A_171 = arith.constant 0 : i32
    %dma_start3A_172 = arith.constant 0 : i32
    %dma_start3A_173 = tpu.memref_slice %arg11[%dma_start3A_164, %dma_start3A_171, %dma_start3A_172] : memref<4x32x128xf32, #tpu.memory_space<vmem>> -> memref<1x32x128xf32, #tpu.memory_space<vmem>>
    %dma_start3A_174 = tpu.memref_squeeze %dma_start3A_173 : memref<1x32x128xf32, #tpu.memory_space<vmem>> -> memref<32x128xf32, #tpu.memory_space<vmem>>
    %dma_start3A_175 = arith.constant 0 : i32
    %dma_start3A_176 = tpu.memref_slice %arg5[%dma_start3A_175, %multiple_of3A_163] : memref<32x1000000xf32, #tpu.memory_space<hbm>> -> memref<32x128xf32, #tpu.memory_space<hbm>>
    tpu.enqueue_dma source(%dma_start3A_176 : memref<32x128xf32, #tpu.memory_space<hbm>>) target(%dma_start3A_174 : memref<32x128xf32, #tpu.memory_space<vmem>>) target_semaphore(%arg20 : memref<!tpu.dma_semaphore, #tpu.memory_space<semaphore_mem>>)
    %get3A_177 = arith.constant 0 : i32
    %get3A_178 = arith.index_cast %get3A_177 : i32 to index
    %get3A_179 = arith.constant 0 : index
    %get3A_180 = tpu.vector_load %arg8[%get3A_178, %get3A_179] {strides = array<i32>} : memref<32x16xi32, #tpu.memory_space<vmem>>, vector<16xi32>,
    %eq3A_181 = arith.constant 3 : i32
    %eq3A_182 = vector.broadcast %eq3A_181 : i32 to vector<16xi32>
    %eq3A_183 = arith.cmpi eq, %iota3A, %eq3A_182 : vector<16xi32>
    %select_n3A_184 = arith.select %eq3A_183, %get3A_180, %broadcast_in_dim3A_3 : vector<16xi1>, vector<16xi32>
    %reduce_sum3A_185 = arith.constant true
    %reduce_sum3A_186 = vector.broadcast %reduce_sum3A_185 : i1 to vector<16xi1>
    %reduce_sum3A_187 = tpu.scan <sum>, %select_n3A_184 masked %reduce_sum3A_186 : vector<16xi32>, vector<16xi1> -> vector<16xi32>
    %reduce_sum3A_188 = vector.extract %reduce_sum3A_187[15] : i32 from vector<16xi32>
    %shift_right_arithmetic3A_189 = arith.constant 7 : i32
    %shift_right_arithmetic3A_190 = arith.shrsi %reduce_sum3A_188, %shift_right_arithmetic3A_189 : i32
    %mul3A_191 = arith.constant 128 : i32
    %mul3A_192 = arith.muli %shift_right_arithmetic3A_190, %mul3A_191 : i32
    %multiple_of3A_193 = tpu.assume_multiple %mul3A_192, 128 : i32
    %dma_start3A_194 = arith.constant 3 : i32
    %dma_start3A_195 = arith.constant 0 : i32
    %dma_start3A_196 = arith.constant 0 : i32
    %dma_start3A_197 = tpu.memref_slice %arg10[%dma_start3A_194, %dma_start3A_195, %dma_start3A_196] : memref<4x32x128xf32, #tpu.memory_space<vmem>> -> memref<1x32x128xf32, #tpu.memory_space<vmem>>
    %dma_start3A_198 = tpu.memref_squeeze %dma_start3A_197 : memref<1x32x128xf32, #tpu.memory_space<vmem>> -> memref<32x128xf32, #tpu.memory_space<vmem>>
    %dma_start3A_199 = arith.constant 0 : i32
    %dma_start3A_200 = tpu.memref_slice %arg4[%dma_start3A_199, %multiple_of3A_193] : memref<32x1000000xf32, #tpu.memory_space<hbm>> -> memref<32x128xf32, #tpu.memory_space<hbm>>
    %dma_start3A_201 = arith.constant 0 : i32
    %dma_start3A_202 = arith.constant 0 : i32
    %dma_start3A_203 = tpu.memref_slice %arg10[%dma_start3A_194, %dma_start3A_201, %dma_start3A_202] : memref<4x32x128xf32, #tpu.memory_space<vmem>> -> memref<1x32x128xf32, #tpu.memory_space<vmem>>
    %dma_start3A_204 = tpu.memref_squeeze %dma_start3A_203 : memref<1x32x128xf32, #tpu.memory_space<vmem>> -> memref<32x128xf32, #tpu.memory_space<vmem>>
    %dma_start3A_205 = arith.constant 0 : i32
    %dma_start3A_206 = tpu.memref_slice %arg4[%dma_start3A_205, %multiple_of3A_193] : memref<32x1000000xf32, #tpu.memory_space<hbm>> -> memref<32x128xf32, #tpu.memory_space<hbm>>
    tpu.enqueue_dma source(%dma_start3A_206 : memref<32x128xf32, #tpu.memory_space<hbm>>) target(%dma_start3A_204 : memref<32x128xf32, #tpu.memory_space<vmem>>) target_semaphore(%arg17 : memref<!tpu.dma_semaphore, #tpu.memory_space<semaphore_mem>>)
    %get3A_207 = arith.constant 0 : i32
    %get3A_208 = arith.index_cast %get3A_207 : i32 to index
    %get3A_209 = arith.constant 0 : index
    %get3A_210 = tpu.vector_load %arg9[%get3A_208, %get3A_209] {strides = array<i32>} : memref<32x16xi32, #tpu.memory_space<vmem>>, vector<16xi32>,
    %eq3A_211 = arith.constant 3 : i32
    %eq3A_212 = vector.broadcast %eq3A_211 : i32 to vector<16xi32>
    %eq3A_213 = arith.cmpi eq, %iota3A, %eq3A_212 : vector<16xi32>
    %select_n3A_214 = arith.select %eq3A_213, %get3A_210, %broadcast_in_dim3A_3 : vector<16xi1>, vector<16xi32>
    %reduce_sum3A_215 = arith.constant true
    %reduce_sum3A_216 = vector.broadcast %reduce_sum3A_215 : i1 to vector<16xi1>
    %reduce_sum3A_217 = tpu.scan <sum>, %select_n3A_214 masked %reduce_sum3A_216 : vector<16xi32>, vector<16xi1> -> vector<16xi32>
    %reduce_sum3A_218 = vector.extract %reduce_sum3A_217[15] : i32 from vector<16xi32>
    %shift_right_arithmetic3A_219 = arith.constant 7 : i32
    %shift_right_arithmetic3A_220 = arith.shrsi %reduce_sum3A_218, %shift_right_arithmetic3A_219 : i32
    %mul3A_221 = arith.constant 128 : i32
    %mul3A_222 = arith.muli %shift_right_arithmetic3A_220, %mul3A_221 : i32
    %multiple_of3A_223 = tpu.assume_multiple %mul3A_222, 128 : i32
    %dma_start3A_224 = arith.constant 3 : i32
    %dma_start3A_225 = arith.constant 0 : i32
    %dma_start3A_226 = arith.constant 0 : i32
    %dma_start3A_227 = tpu.memref_slice %arg11[%dma_start3A_224, %dma_start3A_225, %dma_start3A_226] : memref<4x32x128xf32, #tpu.memory_space<vmem>> -> memref<1x32x128xf32, #tpu.memory_space<vmem>>
    %dma_start3A_228 = tpu.memref_squeeze %dma_start3A_227 : memref<1x32x128xf32, #tpu.memory_space<vmem>> -> memref<32x128xf32, #tpu.memory_space<vmem>>
    %dma_start3A_229 = arith.constant 0 : i32
    %dma_start3A_230 = tpu.memref_slice %arg5[%dma_start3A_229, %multiple_of3A_223] : memref<32x1000000xf32, #tpu.memory_space<hbm>> -> memref<32x128xf32, #tpu.memory_space<hbm>>
    %dma_start3A_231 = arith.constant 0 : i32
    %dma_start3A_232 = arith.constant 0 : i32
    %dma_start3A_233 = tpu.memref_slice %arg11[%dma_start3A_224, %dma_start3A_231, %dma_start3A_232] : memref<4x32x128xf32, #tpu.memory_space<vmem>> -> memref<1x32x128xf32, #tpu.memory_space<vmem>>
    %dma_start3A_234 = tpu.memref_squeeze %dma_start3A_233 : memref<1x32x128xf32, #tpu.memory_space<vmem>> -> memref<32x128xf32, #tpu.memory_space<vmem>>
    %dma_start3A_235 = arith.constant 0 : i32
    %dma_start3A_236 = tpu.memref_slice %arg5[%dma_start3A_235, %multiple_of3A_223] : memref<32x1000000xf32, #tpu.memory_space<hbm>> -> memref<32x128xf32, #tpu.memory_space<hbm>>
    tpu.enqueue_dma source(%dma_start3A_236 : memref<32x128xf32, #tpu.memory_space<hbm>>) target(%dma_start3A_234 : memref<32x128xf32, #tpu.memory_space<vmem>>) target_semaphore(%arg21 : memref<!tpu.dma_semaphore, #tpu.memory_space<semaphore_mem>>)
    %scan3A = arith.constant 0 : i32
    %scan3A_237 = arith.constant 0 : i32
    %scan3A_238 = arith.constant 128 : i32
    %scan3A_239 = arith.addi %scan3A_237, %scan3A_238 : i32
    %scan3A_240 = arith.constant 1 : i32
    %scan3A_241 = scf.for %scan3A_243 = %scan3A_237 to %scan3A_239 step %scan3A_240 iter_args(%scan3A_244 = %scan3A) -> (i32)  : i32 {
      %mul3A_245 = arith.constant 4 : i32
      %mul3A_246 = arith.muli %scan3A_243, %mul3A_245 : i32
      %add3A_247 = arith.constant 0 : i32
      %add3A_248 = arith.addi %mul3A_246, %add3A_247 : i32
      %dma_wait3A = arith.constant 0 : i32
      %dma_wait3A_249 = arith.constant 0 : i32
      %dma_wait3A_250 = arith.constant 0 : i32
      %dma_wait3A_251 = tpu.memref_slice %arg10[%dma_wait3A, %dma_wait3A_249, %dma_wait3A_250] : memref<4x32x128xf32, #tpu.memory_space<vmem>> -> memref<1x32x128xf32, #tpu.memory_space<vmem>>
      %dma_wait3A_252 = tpu.memref_squeeze %dma_wait3A_251 : memref<1x32x128xf32, #tpu.memory_space<vmem>> -> memref<32x128xf32, #tpu.memory_space<vmem>>
      %dma_wait3A_253 = arith.constant 0 : i32
      %dma_wait3A_254 = arith.constant 0 : i32
      %dma_wait3A_255 = tpu.memref_slice %arg4[%dma_wait3A_253, %dma_wait3A_254] : memref<32x1000000xf32, #tpu.memory_space<hbm>> -> memref<32x128xf32, #tpu.memory_space<hbm>>
      %dma_wait3A_256 = arith.constant 0 : i32
      %dma_wait3A_257 = arith.constant 0 : i32
      %dma_wait3A_258 = tpu.memref_slice %arg10[%dma_wait3A, %dma_wait3A_256, %dma_wait3A_257] : memref<4x32x128xf32, #tpu.memory_space<vmem>> -> memref<1x32x128xf32, #tpu.memory_space<vmem>>
      %dma_wait3A_259 = tpu.memref_squeeze %dma_wait3A_258 : memref<1x32x128xf32, #tpu.memory_space<vmem>> -> memref<32x128xf32, #tpu.memory_space<vmem>>
      %dma_wait3A_260 = arith.constant 0 : i32
      %dma_wait3A_261 = arith.constant 0 : i32
      %dma_wait3A_262 = tpu.memref_slice %arg4[%dma_wait3A_260, %dma_wait3A_261] : memref<32x1000000xf32, #tpu.memory_space<hbm>> -> memref<32x128xf32, #tpu.memory_space<hbm>>
      tpu.wait_dma2 semaphore(%arg14 : memref<!tpu.dma_semaphore, #tpu.memory_space<semaphore_mem>>) src(%dma_wait3A_262 : memref<32x128xf32, #tpu.memory_space<hbm>>) dst(%dma_wait3A_259 : memref<32x128xf32, #tpu.memory_space<vmem>>)
      %shift_right_arithmetic3A_263 = arith.constant 4 : i32
      %shift_right_arithmetic3A_264 = arith.shrsi %add3A_248, %shift_right_arithmetic3A_263 : i32
      %get3A_265 = arith.index_cast %shift_right_arithmetic3A_264 : i32 to index
      %get3A_266 = arith.constant 0 : index
      %get3A_267 = tpu.vector_load %arg8[%get3A_265, %get3A_266] {strides = array<i32>} : memref<32x16xi32, #tpu.memory_space<vmem>>, vector<16xi32>,
      %and3A = arith.constant 15 : i32
      %and3A_268 = arith.andi %add3A_248, %and3A : i32
      %eq3A_269 = vector.broadcast %and3A_268 : i32 to vector<16xi32>
      %eq3A_270 = arith.cmpi eq, %iota3A, %eq3A_269 : vector<16xi32>
      %select_n3A_271 = arith.select %eq3A_270, %get3A_267, %broadcast_in_dim3A_3 : vector<16xi1>, vector<16xi32>
      %reduce_sum3A_272 = arith.constant true
      %reduce_sum3A_273 = vector.broadcast %reduce_sum3A_272 : i1 to vector<16xi1>
      %reduce_sum3A_274 = tpu.scan <sum>, %select_n3A_271 masked %reduce_sum3A_273 : vector<16xi32>, vector<16xi1> -> vector<16xi32>
      %reduce_sum3A_275 = vector.extract %reduce_sum3A_274[15] : i32 from vector<16xi32>
      %and3A_276 = arith.constant 127 : i32
      %and3A_277 = arith.andi %reduce_sum3A_275, %and3A_276 : i32
      %broadcast_in_dim3A_278 = vector.broadcast %and3A_277 : i32 to vector<16xi32>
      %gather3A = arith.constant 0 : i32
      %gather3A_279 = arith.constant 0 : i32
      %gather3A_280 = arith.constant 0 : i32
      %gather3A_281 = tpu.memref_slice %arg10[%gather3A, %gather3A_279, %gather3A_280] : memref<4x32x128xf32, #tpu.memory_space<vmem>> -> memref<1x32x128xf32, #tpu.memory_space<vmem>>
      %gather3A_282 = tpu.memref_squeeze %gather3A_281 : memref<1x32x128xf32, #tpu.memory_space<vmem>> -> memref<32x128xf32, #tpu.memory_space<vmem>>
      %gather3A_283 = tpu.vector_load_idx %gather3A_282[%iota3A, %broadcast_in_dim3A_278] : memref<32x128xf32, #tpu.memory_space<vmem>>[vector<16xi32>, vector<16xi32>], vector<16xf32>,
      %add3A_284 = arith.constant 16 : i32
      %add3A_285 = vector.broadcast %add3A_284 : i32 to vector<16xi32>
      %add3A_286 = arith.addi %iota3A, %add3A_285 : vector<16xi32>
      %gather3A_287 = arith.constant 0 : i32
      %gather3A_288 = arith.constant 0 : i32
      %gather3A_289 = arith.constant 0 : i32
      %gather3A_290 = tpu.memref_slice %arg10[%gather3A_287, %gather3A_288, %gather3A_289] : memref<4x32x128xf32, #tpu.memory_space<vmem>> -> memref<1x32x128xf32, #tpu.memory_space<vmem>>
      %gather3A_291 = tpu.memref_squeeze %gather3A_290 : memref<1x32x128xf32, #tpu.memory_space<vmem>> -> memref<32x128xf32, #tpu.memory_space<vmem>>
      %gather3A_292 = tpu.vector_load_idx %gather3A_291[%add3A_286, %broadcast_in_dim3A_278] : memref<32x128xf32, #tpu.memory_space<vmem>>[vector<16xi32>, vector<16xi32>], vector<16xf32>,
      %and3A_293 = arith.constant 127 : i32
      %and3A_294 = arith.andi %add3A_248, %and3A_293 : i32
      %broadcast_in_dim3A_295 = vector.broadcast %and3A_294 : i32 to vector<16xi32>
      tpu.vector_store_idx %arg12[%broadcast_in_dim3A_295, %iota3A], %gather3A_283 : memref<128x32xf32, #tpu.memory_space<vmem>>[vector<16xi32>, vector<16xi32>], vector<16xf32>,
      %add3A_296 = arith.constant 16 : i32
      %add3A_297 = vector.broadcast %add3A_296 : i32 to vector<16xi32>
      %add3A_298 = arith.addi %iota3A, %add3A_297 : vector<16xi32>
      tpu.vector_store_idx %arg12[%broadcast_in_dim3A_295, %add3A_298], %gather3A_292 : memref<128x32xf32, #tpu.memory_space<vmem>>[vector<16xi32>, vector<16xi32>], vector<16xf32>,
      %dma_wait3A_299 = arith.constant 0 : i32
      %dma_wait3A_300 = arith.constant 0 : i32
      %dma_wait3A_301 = arith.constant 0 : i32
      %dma_wait3A_302 = tpu.memref_slice %arg11[%dma_wait3A_299, %dma_wait3A_300, %dma_wait3A_301] : memref<4x32x128xf32, #tpu.memory_space<vmem>> -> memref<1x32x128xf32, #tpu.memory_space<vmem>>
      %dma_wait3A_303 = tpu.memref_squeeze %dma_wait3A_302 : memref<1x32x128xf32, #tpu.memory_space<vmem>> -> memref<32x128xf32, #tpu.memory_space<vmem>>
      %dma_wait3A_304 = arith.constant 0 : i32
      %dma_wait3A_305 = arith.constant 0 : i32
      %dma_wait3A_306 = tpu.memref_slice %arg5[%dma_wait3A_304, %dma_wait3A_305] : memref<32x1000000xf32, #tpu.memory_space<hbm>> -> memref<32x128xf32, #tpu.memory_space<hbm>>
      %dma_wait3A_307 = arith.constant 0 : i32
      %dma_wait3A_308 = arith.constant 0 : i32
      %dma_wait3A_309 = tpu.memref_slice %arg11[%dma_wait3A_299, %dma_wait3A_307, %dma_wait3A_308] : memref<4x32x128xf32, #tpu.memory_space<vmem>> -> memref<1x32x128xf32, #tpu.memory_space<vmem>>
      %dma_wait3A_310 = tpu.memref_squeeze %dma_wait3A_309 : memref<1x32x128xf32, #tpu.memory_space<vmem>> -> memref<32x128xf32, #tpu.memory_space<vmem>>
      %dma_wait3A_311 = arith.constant 0 : i32
      %dma_wait3A_312 = arith.constant 0 : i32
      %dma_wait3A_313 = tpu.memref_slice %arg5[%dma_wait3A_311, %dma_wait3A_312] : memref<32x1000000xf32, #tpu.memory_space<hbm>> -> memref<32x128xf32, #tpu.memory_space<hbm>>
      tpu.wait_dma2 semaphore(%arg18 : memref<!tpu.dma_semaphore, #tpu.memory_space<semaphore_mem>>) src(%dma_wait3A_313 : memref<32x128xf32, #tpu.memory_space<hbm>>) dst(%dma_wait3A_310 : memref<32x128xf32, #tpu.memory_space<vmem>>)
      %shift_right_arithmetic3A_314 = arith.constant 4 : i32
      %shift_right_arithmetic3A_315 = arith.shrsi %add3A_248, %shift_right_arithmetic3A_314 : i32
      %get3A_316 = arith.index_cast %shift_right_arithmetic3A_315 : i32 to index
      %get3A_317 = arith.constant 0 : index
      %get3A_318 = tpu.vector_load %arg9[%get3A_316, %get3A_317] {strides = array<i32>} : memref<32x16xi32, #tpu.memory_space<vmem>>, vector<16xi32>,
      %and3A_319 = arith.constant 15 : i32
      %and3A_320 = arith.andi %add3A_248, %and3A_319 : i32
      %eq3A_321 = vector.broadcast %and3A_320 : i32 to vector<16xi32>
      %eq3A_322 = arith.cmpi eq, %iota3A, %eq3A_321 : vector<16xi32>
      %select_n3A_323 = arith.select %eq3A_322, %get3A_318, %broadcast_in_dim3A_3 : vector<16xi1>, vector<16xi32>
      %reduce_sum3A_324 = arith.constant true
      %reduce_sum3A_325 = vector.broadcast %reduce_sum3A_324 : i1 to vector<16xi1>
      %reduce_sum3A_326 = tpu.scan <sum>, %select_n3A_323 masked %reduce_sum3A_325 : vector<16xi32>, vector<16xi1> -> vector<16xi32>
      %reduce_sum3A_327 = vector.extract %reduce_sum3A_326[15] : i32 from vector<16xi32>
      %and3A_328 = arith.constant 127 : i32
      %and3A_329 = arith.andi %reduce_sum3A_327, %and3A_328 : i32
      %broadcast_in_dim3A_330 = vector.broadcast %and3A_329 : i32 to vector<16xi32>
      %gather3A_331 = arith.constant 0 : i32
      %gather3A_332 = arith.constant 0 : i32
      %gather3A_333 = arith.constant 0 : i32
      %gather3A_334 = tpu.memref_slice %arg11[%gather3A_331, %gather3A_332, %gather3A_333] : memref<4x32x128xf32, #tpu.memory_space<vmem>> -> memref<1x32x128xf32, #tpu.memory_space<vmem>>
      %gather3A_335 = tpu.memref_squeeze %gather3A_334 : memref<1x32x128xf32, #tpu.memory_space<vmem>> -> memref<32x128xf32, #tpu.memory_space<vmem>>
      %gather3A_336 = tpu.vector_load_idx %gather3A_335[%iota3A, %broadcast_in_dim3A_330] : memref<32x128xf32, #tpu.memory_space<vmem>>[vector<16xi32>, vector<16xi32>], vector<16xf32>,
      %add3A_337 = arith.constant 16 : i32
      %add3A_338 = vector.broadcast %add3A_337 : i32 to vector<16xi32>
      %add3A_339 = arith.addi %iota3A, %add3A_338 : vector<16xi32>
      %gather3A_340 = arith.constant 0 : i32
      %gather3A_341 = arith.constant 0 : i32
      %gather3A_342 = arith.constant 0 : i32
      %gather3A_343 = tpu.memref_slice %arg11[%gather3A_340, %gather3A_341, %gather3A_342] : memref<4x32x128xf32, #tpu.memory_space<vmem>> -> memref<1x32x128xf32, #tpu.memory_space<vmem>>
      %gather3A_344 = tpu.memref_squeeze %gather3A_343 : memref<1x32x128xf32, #tpu.memory_space<vmem>> -> memref<32x128xf32, #tpu.memory_space<vmem>>
      %gather3A_345 = tpu.vector_load_idx %gather3A_344[%add3A_339, %broadcast_in_dim3A_330] : memref<32x128xf32, #tpu.memory_space<vmem>>[vector<16xi32>, vector<16xi32>], vector<16xf32>,
      %and3A_346 = arith.constant 127 : i32
      %and3A_347 = arith.andi %add3A_248, %and3A_346 : i32
      %broadcast_in_dim3A_348 = vector.broadcast %and3A_347 : i32 to vector<16xi32>
      tpu.vector_store_idx %arg13[%broadcast_in_dim3A_348, %iota3A], %gather3A_336 : memref<128x32xf32, #tpu.memory_space<vmem>>[vector<16xi32>, vector<16xi32>], vector<16xf32>,
      %add3A_349 = arith.constant 16 : i32
      %add3A_350 = vector.broadcast %add3A_349 : i32 to vector<16xi32>
      %add3A_351 = arith.addi %iota3A, %add3A_350 : vector<16xi32>
      tpu.vector_store_idx %arg13[%broadcast_in_dim3A_348, %add3A_351], %gather3A_345 : memref<128x32xf32, #tpu.memory_space<vmem>>[vector<16xi32>, vector<16xi32>], vector<16xf32>,
      %add3A_352 = arith.constant 1 : i32
      %add3A_353 = arith.addi %scan3A_243, %add3A_352 : i32
      %lt3A = arith.constant 128 : i32
      %lt3A_354 = arith.cmpi slt, %add3A_353, %lt3A : i32
      %convert_element_type3A = arith.extui %lt3A_354 : i1 to i32
      %cond3A = arith.constant 0 : i32
      %cond3A_355 = arith.cmpi ne, %convert_element_type3A, %cond3A : i32
      scf.if %cond3A_355 {
        %add3A_715 = arith.constant 4 : i32
        %add3A_716 = arith.addi %add3A_248, %add3A_715 : i32
        %shift_right_arithmetic3A_717 = arith.constant 4 : i32
        %shift_right_arithmetic3A_718 = arith.shrsi %add3A_716, %shift_right_arithmetic3A_717 : i32
        %get3A_719 = arith.index_cast %shift_right_arithmetic3A_718 : i32 to index
        %get3A_720 = arith.constant 0 : index
        %get3A_721 = tpu.vector_load %arg8[%get3A_719, %get3A_720] {strides = array<i32>} : memref<32x16xi32, #tpu.memory_space<vmem>>, vector<16xi32>,
        %and3A_722 = arith.constant 15 : i32
        %and3A_723 = arith.andi %add3A_716, %and3A_722 : i32
        %eq3A_724 = vector.broadcast %and3A_723 : i32 to vector<16xi32>
        %eq3A_725 = arith.cmpi eq, %iota3A, %eq3A_724 : vector<16xi32>
        %select_n3A_726 = arith.select %eq3A_725, %get3A_721, %broadcast_in_dim3A_3 : vector<16xi1>, vector<16xi32>
        %reduce_sum3A_727 = arith.constant true
        %reduce_sum3A_728 = vector.broadcast %reduce_sum3A_727 : i1 to vector<16xi1>
        %reduce_sum3A_729 = tpu.scan <sum>, %select_n3A_726 masked %reduce_sum3A_728 : vector<16xi32>, vector<16xi1> -> vector<16xi32>
        %reduce_sum3A_730 = vector.extract %reduce_sum3A_729[15] : i32 from vector<16xi32>
        %shift_right_arithmetic3A_731 = arith.constant 7 : i32
        %shift_right_arithmetic3A_732 = arith.shrsi %reduce_sum3A_730, %shift_right_arithmetic3A_731 : i32
        %mul3A_733 = arith.constant 128 : i32
        %mul3A_734 = arith.muli %shift_right_arithmetic3A_732, %mul3A_733 : i32
        %multiple_of3A_735 = tpu.assume_multiple %mul3A_734, 128 : i32
        %dma_start3A_736 = arith.constant 0 : i32
        %dma_start3A_737 = arith.constant 0 : i32
        %dma_start3A_738 = arith.constant 0 : i32
        %dma_start3A_739 = tpu.memref_slice %arg10[%dma_start3A_736, %dma_start3A_737, %dma_start3A_738] : memref<4x32x128xf32, #tpu.memory_space<vmem>> -> memref<1x32x128xf32, #tpu.memory_space<vmem>>
        %dma_start3A_740 = tpu.memref_squeeze %dma_start3A_739 : memref<1x32x128xf32, #tpu.memory_space<vmem>> -> memref<32x128xf32, #tpu.memory_space<vmem>>
        %dma_start3A_741 = arith.constant 0 : i32
        %dma_start3A_742 = tpu.memref_slice %arg4[%dma_start3A_741, %multiple_of3A_735] : memref<32x1000000xf32, #tpu.memory_space<hbm>> -> memref<32x128xf32, #tpu.memory_space<hbm>>
        %dma_start3A_743 = arith.constant 0 : i32
        %dma_start3A_744 = arith.constant 0 : i32
        %dma_start3A_745 = tpu.memref_slice %arg10[%dma_start3A_736, %dma_start3A_743, %dma_start3A_744] : memref<4x32x128xf32, #tpu.memory_space<vmem>> -> memref<1x32x128xf32, #tpu.memory_space<vmem>>
        %dma_start3A_746 = tpu.memref_squeeze %dma_start3A_745 : memref<1x32x128xf32, #tpu.memory_space<vmem>> -> memref<32x128xf32, #tpu.memory_space<vmem>>
        %dma_start3A_747 = arith.constant 0 : i32
        %dma_start3A_748 = tpu.memref_slice %arg4[%dma_start3A_747, %multiple_of3A_735] : memref<32x1000000xf32, #tpu.memory_space<hbm>> -> memref<32x128xf32, #tpu.memory_space<hbm>>
        tpu.enqueue_dma source(%dma_start3A_748 : memref<32x128xf32, #tpu.memory_space<hbm>>) target(%dma_start3A_746 : memref<32x128xf32, #tpu.memory_space<vmem>>) target_semaphore(%arg14 : memref<!tpu.dma_semaphore, #tpu.memory_space<semaphore_mem>>)
        %add3A_749 = arith.constant 4 : i32
        %add3A_750 = arith.addi %add3A_248, %add3A_749 : i32
        %shift_right_arithmetic3A_751 = arith.constant 4 : i32
        %shift_right_arithmetic3A_752 = arith.shrsi %add3A_750, %shift_right_arithmetic3A_751 : i32
        %get3A_753 = arith.index_cast %shift_right_arithmetic3A_752 : i32 to index
        %get3A_754 = arith.constant 0 : index
        %get3A_755 = tpu.vector_load %arg9[%get3A_753, %get3A_754] {strides = array<i32>} : memref<32x16xi32, #tpu.memory_space<vmem>>, vector<16xi32>,
        %and3A_756 = arith.constant 15 : i32
        %and3A_757 = arith.andi %add3A_750, %and3A_756 : i32
        %eq3A_758 = vector.broadcast %and3A_757 : i32 to vector<16xi32>
        %eq3A_759 = arith.cmpi eq, %iota3A, %eq3A_758 : vector<16xi32>
        %select_n3A_760 = arith.select %eq3A_759, %get3A_755, %broadcast_in_dim3A_3 : vector<16xi1>, vector<16xi32>
        %reduce_sum3A_761 = arith.constant true
        %reduce_sum3A_762 = vector.broadcast %reduce_sum3A_761 : i1 to vector<16xi1>
        %reduce_sum3A_763 = tpu.scan <sum>, %select_n3A_760 masked %reduce_sum3A_762 : vector<16xi32>, vector<16xi1> -> vector<16xi32>
        %reduce_sum3A_764 = vector.extract %reduce_sum3A_763[15] : i32 from vector<16xi32>
        %shift_right_arithmetic3A_765 = arith.constant 7 : i32
        %shift_right_arithmetic3A_766 = arith.shrsi %reduce_sum3A_764, %shift_right_arithmetic3A_765 : i32
        %mul3A_767 = arith.constant 128 : i32
        %mul3A_768 = arith.muli %shift_right_arithmetic3A_766, %mul3A_767 : i32
        %multiple_of3A_769 = tpu.assume_multiple %mul3A_768, 128 : i32
        %dma_start3A_770 = arith.constant 0 : i32
        %dma_start3A_771 = arith.constant 0 : i32
        %dma_start3A_772 = arith.constant 0 : i32
        %dma_start3A_773 = tpu.memref_slice %arg11[%dma_start3A_770, %dma_start3A_771, %dma_start3A_772] : memref<4x32x128xf32, #tpu.memory_space<vmem>> -> memref<1x32x128xf32, #tpu.memory_space<vmem>>
        %dma_start3A_774 = tpu.memref_squeeze %dma_start3A_773 : memref<1x32x128xf32, #tpu.memory_space<vmem>> -> memref<32x128xf32, #tpu.memory_space<vmem>>
        %dma_start3A_775 = arith.constant 0 : i32
        %dma_start3A_776 = tpu.memref_slice %arg5[%dma_start3A_775, %multiple_of3A_769] : memref<32x1000000xf32, #tpu.memory_space<hbm>> -> memref<32x128xf32, #tpu.memory_space<hbm>>
        %dma_start3A_777 = arith.constant 0 : i32
        %dma_start3A_778 = arith.constant 0 : i32
        %dma_start3A_779 = tpu.memref_slice %arg11[%dma_start3A_770, %dma_start3A_777, %dma_start3A_778] : memref<4x32x128xf32, #tpu.memory_space<vmem>> -> memref<1x32x128xf32, #tpu.memory_space<vmem>>
        %dma_start3A_780 = tpu.memref_squeeze %dma_start3A_779 : memref<1x32x128xf32, #tpu.memory_space<vmem>> -> memref<32x128xf32, #tpu.memory_space<vmem>>
        %dma_start3A_781 = arith.constant 0 : i32
        %dma_start3A_782 = tpu.memref_slice %arg5[%dma_start3A_781, %multiple_of3A_769] : memref<32x1000000xf32, #tpu.memory_space<hbm>> -> memref<32x128xf32, #tpu.memory_space<hbm>>
        tpu.enqueue_dma source(%dma_start3A_782 : memref<32x128xf32, #tpu.memory_space<hbm>>) target(%dma_start3A_780 : memref<32x128xf32, #tpu.memory_space<vmem>>) target_semaphore(%arg18 : memref<!tpu.dma_semaphore, #tpu.memory_space<semaphore_mem>>)
      } else {
      }
      %mul3A_356 = arith.constant 4 : i32
      %mul3A_357 = arith.muli %scan3A_243, %mul3A_356 : i32
      %add3A_358 = arith.constant 1 : i32
      %add3A_359 = arith.addi %mul3A_357, %add3A_358 : i32
      %dma_wait3A_360 = arith.constant 1 : i32
      %dma_wait3A_361 = arith.constant 0 : i32
      %dma_wait3A_362 = arith.constant 0 : i32
      %dma_wait3A_363 = tpu.memref_slice %arg10[%dma_wait3A_360, %dma_wait3A_361, %dma_wait3A_362] : memref<4x32x128xf32, #tpu.memory_space<vmem>> -> memref<1x32x128xf32, #tpu.memory_space<vmem>>
      %dma_wait3A_364 = tpu.memref_squeeze %dma_wait3A_363 : memref<1x32x128xf32, #tpu.memory_space<vmem>> -> memref<32x128xf32, #tpu.memory_space<vmem>>
      %dma_wait3A_365 = arith.constant 0 : i32
      %dma_wait3A_366 = arith.constant 0 : i32
      %dma_wait3A_367 = tpu.memref_slice %arg4[%dma_wait3A_365, %dma_wait3A_366] : memref<32x1000000xf32, #tpu.memory_space<hbm>> -> memref<32x128xf32, #tpu.memory_space<hbm>>
      %dma_wait3A_368 = arith.constant 0 : i32
      %dma_wait3A_369 = arith.constant 0 : i32
      %dma_wait3A_370 = tpu.memref_slice %arg10[%dma_wait3A_360, %dma_wait3A_368, %dma_wait3A_369] : memref<4x32x128xf32, #tpu.memory_space<vmem>> -> memref<1x32x128xf32, #tpu.memory_space<vmem>>
      %dma_wait3A_371 = tpu.memref_squeeze %dma_wait3A_370 : memref<1x32x128xf32, #tpu.memory_space<vmem>> -> memref<32x128xf32, #tpu.memory_space<vmem>>
      %dma_wait3A_372 = arith.constant 0 : i32
      %dma_wait3A_373 = arith.constant 0 : i32
      %dma_wait3A_374 = tpu.memref_slice %arg4[%dma_wait3A_372, %dma_wait3A_373] : memref<32x1000000xf32, #tpu.memory_space<hbm>> -> memref<32x128xf32, #tpu.memory_space<hbm>>
      tpu.wait_dma2 semaphore(%arg15 : memref<!tpu.dma_semaphore, #tpu.memory_space<semaphore_mem>>) src(%dma_wait3A_374 : memref<32x128xf32, #tpu.memory_space<hbm>>) dst(%dma_wait3A_371 : memref<32x128xf32, #tpu.memory_space<vmem>>)
      %shift_right_arithmetic3A_375 = arith.constant 4 : i32
      %shift_right_arithmetic3A_376 = arith.shrsi %add3A_359, %shift_right_arithmetic3A_375 : i32
      %get3A_377 = arith.index_cast %shift_right_arithmetic3A_376 : i32 to index
      %get3A_378 = arith.constant 0 : index
      %get3A_379 = tpu.vector_load %arg8[%get3A_377, %get3A_378] {strides = array<i32>} : memref<32x16xi32, #tpu.memory_space<vmem>>, vector<16xi32>,
      %and3A_380 = arith.constant 15 : i32
      %and3A_381 = arith.andi %add3A_359, %and3A_380 : i32
      %eq3A_382 = vector.broadcast %and3A_381 : i32 to vector<16xi32>
      %eq3A_383 = arith.cmpi eq, %iota3A, %eq3A_382 : vector<16xi32>
      %select_n3A_384 = arith.select %eq3A_383, %get3A_379, %broadcast_in_dim3A_3 : vector<16xi1>, vector<16xi32>
      %reduce_sum3A_385 = arith.constant true
      %reduce_sum3A_386 = vector.broadcast %reduce_sum3A_385 : i1 to vector<16xi1>
      %reduce_sum3A_387 = tpu.scan <sum>, %select_n3A_384 masked %reduce_sum3A_386 : vector<16xi32>, vector<16xi1> -> vector<16xi32>
      %reduce_sum3A_388 = vector.extract %reduce_sum3A_387[15] : i32 from vector<16xi32>
      %and3A_389 = arith.constant 127 : i32
      %and3A_390 = arith.andi %reduce_sum3A_388, %and3A_389 : i32
      %broadcast_in_dim3A_391 = vector.broadcast %and3A_390 : i32 to vector<16xi32>
      %gather3A_392 = arith.constant 1 : i32
      %gather3A_393 = arith.constant 0 : i32
      %gather3A_394 = arith.constant 0 : i32
      %gather3A_395 = tpu.memref_slice %arg10[%gather3A_392, %gather3A_393, %gather3A_394] : memref<4x32x128xf32, #tpu.memory_space<vmem>> -> memref<1x32x128xf32, #tpu.memory_space<vmem>>
      %gather3A_396 = tpu.memref_squeeze %gather3A_395 : memref<1x32x128xf32, #tpu.memory_space<vmem>> -> memref<32x128xf32, #tpu.memory_space<vmem>>
      %gather3A_397 = tpu.vector_load_idx %gather3A_396[%iota3A, %broadcast_in_dim3A_391] : memref<32x128xf32, #tpu.memory_space<vmem>>[vector<16xi32>, vector<16xi32>], vector<16xf32>,
      %add3A_398 = arith.constant 16 : i32
      %add3A_399 = vector.broadcast %add3A_398 : i32 to vector<16xi32>
      %add3A_400 = arith.addi %iota3A, %add3A_399 : vector<16xi32>
      %gather3A_401 = arith.constant 1 : i32
      %gather3A_402 = arith.constant 0 : i32
      %gather3A_403 = arith.constant 0 : i32
      %gather3A_404 = tpu.memref_slice %arg10[%gather3A_401, %gather3A_402, %gather3A_403] : memref<4x32x128xf32, #tpu.memory_space<vmem>> -> memref<1x32x128xf32, #tpu.memory_space<vmem>>
      %gather3A_405 = tpu.memref_squeeze %gather3A_404 : memref<1x32x128xf32, #tpu.memory_space<vmem>> -> memref<32x128xf32, #tpu.memory_space<vmem>>
      %gather3A_406 = tpu.vector_load_idx %gather3A_405[%add3A_400, %broadcast_in_dim3A_391] : memref<32x128xf32, #tpu.memory_space<vmem>>[vector<16xi32>, vector<16xi32>], vector<16xf32>,
      %and3A_407 = arith.constant 127 : i32
      %and3A_408 = arith.andi %add3A_359, %and3A_407 : i32
      %broadcast_in_dim3A_409 = vector.broadcast %and3A_408 : i32 to vector<16xi32>
      tpu.vector_store_idx %arg12[%broadcast_in_dim3A_409, %iota3A], %gather3A_397 : memref<128x32xf32, #tpu.memory_space<vmem>>[vector<16xi32>, vector<16xi32>], vector<16xf32>,
      %add3A_410 = arith.constant 16 : i32
      %add3A_411 = vector.broadcast %add3A_410 : i32 to vector<16xi32>
      %add3A_412 = arith.addi %iota3A, %add3A_411 : vector<16xi32>
      tpu.vector_store_idx %arg12[%broadcast_in_dim3A_409, %add3A_412], %gather3A_406 : memref<128x32xf32, #tpu.memory_space<vmem>>[vector<16xi32>, vector<16xi32>], vector<16xf32>,
      %dma_wait3A_413 = arith.constant 1 : i32
      %dma_wait3A_414 = arith.constant 0 : i32
      %dma_wait3A_415 = arith.constant 0 : i32
      %dma_wait3A_416 = tpu.memref_slice %arg11[%dma_wait3A_413, %dma_wait3A_414, %dma_wait3A_415] : memref<4x32x128xf32, #tpu.memory_space<vmem>> -> memref<1x32x128xf32, #tpu.memory_space<vmem>>
      %dma_wait3A_417 = tpu.memref_squeeze %dma_wait3A_416 : memref<1x32x128xf32, #tpu.memory_space<vmem>> -> memref<32x128xf32, #tpu.memory_space<vmem>>
      %dma_wait3A_418 = arith.constant 0 : i32
      %dma_wait3A_419 = arith.constant 0 : i32
      %dma_wait3A_420 = tpu.memref_slice %arg5[%dma_wait3A_418, %dma_wait3A_419] : memref<32x1000000xf32, #tpu.memory_space<hbm>> -> memref<32x128xf32, #tpu.memory_space<hbm>>
      %dma_wait3A_421 = arith.constant 0 : i32
      %dma_wait3A_422 = arith.constant 0 : i32
      %dma_wait3A_423 = tpu.memref_slice %arg11[%dma_wait3A_413, %dma_wait3A_421, %dma_wait3A_422] : memref<4x32x128xf32, #tpu.memory_space<vmem>> -> memref<1x32x128xf32, #tpu.memory_space<vmem>>
      %dma_wait3A_424 = tpu.memref_squeeze %dma_wait3A_423 : memref<1x32x128xf32, #tpu.memory_space<vmem>> -> memref<32x128xf32, #tpu.memory_space<vmem>>
      %dma_wait3A_425 = arith.constant 0 : i32
      %dma_wait3A_426 = arith.constant 0 : i32
      %dma_wait3A_427 = tpu.memref_slice %arg5[%dma_wait3A_425, %dma_wait3A_426] : memref<32x1000000xf32, #tpu.memory_space<hbm>> -> memref<32x128xf32, #tpu.memory_space<hbm>>
      tpu.wait_dma2 semaphore(%arg19 : memref<!tpu.dma_semaphore, #tpu.memory_space<semaphore_mem>>) src(%dma_wait3A_427 : memref<32x128xf32, #tpu.memory_space<hbm>>) dst(%dma_wait3A_424 : memref<32x128xf32, #tpu.memory_space<vmem>>)
      %shift_right_arithmetic3A_428 = arith.constant 4 : i32
      %shift_right_arithmetic3A_429 = arith.shrsi %add3A_359, %shift_right_arithmetic3A_428 : i32
      %get3A_430 = arith.index_cast %shift_right_arithmetic3A_429 : i32 to index
      %get3A_431 = arith.constant 0 : index
      %get3A_432 = tpu.vector_load %arg9[%get3A_430, %get3A_431] {strides = array<i32>} : memref<32x16xi32, #tpu.memory_space<vmem>>, vector<16xi32>,
      %and3A_433 = arith.constant 15 : i32
      %and3A_434 = arith.andi %add3A_359, %and3A_433 : i32
      %eq3A_435 = vector.broadcast %and3A_434 : i32 to vector<16xi32>
      %eq3A_436 = arith.cmpi eq, %iota3A, %eq3A_435 : vector<16xi32>
      %select_n3A_437 = arith.select %eq3A_436, %get3A_432, %broadcast_in_dim3A_3 : vector<16xi1>, vector<16xi32>
      %reduce_sum3A_438 = arith.constant true
      %reduce_sum3A_439 = vector.broadcast %reduce_sum3A_438 : i1 to vector<16xi1>
      %reduce_sum3A_440 = tpu.scan <sum>, %select_n3A_437 masked %reduce_sum3A_439 : vector<16xi32>, vector<16xi1> -> vector<16xi32>
      %reduce_sum3A_441 = vector.extract %reduce_sum3A_440[15] : i32 from vector<16xi32>
      %and3A_442 = arith.constant 127 : i32
      %and3A_443 = arith.andi %reduce_sum3A_441, %and3A_442 : i32
      %broadcast_in_dim3A_444 = vector.broadcast %and3A_443 : i32 to vector<16xi32>
      %gather3A_445 = arith.constant 1 : i32
      %gather3A_446 = arith.constant 0 : i32
      %gather3A_447 = arith.constant 0 : i32
      %gather3A_448 = tpu.memref_slice %arg11[%gather3A_445, %gather3A_446, %gather3A_447] : memref<4x32x128xf32, #tpu.memory_space<vmem>> -> memref<1x32x128xf32, #tpu.memory_space<vmem>>
      %gather3A_449 = tpu.memref_squeeze %gather3A_448 : memref<1x32x128xf32, #tpu.memory_space<vmem>> -> memref<32x128xf32, #tpu.memory_space<vmem>>
      %gather3A_450 = tpu.vector_load_idx %gather3A_449[%iota3A, %broadcast_in_dim3A_444] : memref<32x128xf32, #tpu.memory_space<vmem>>[vector<16xi32>, vector<16xi32>], vector<16xf32>,
      %add3A_451 = arith.constant 16 : i32
      %add3A_452 = vector.broadcast %add3A_451 : i32 to vector<16xi32>
      %add3A_453 = arith.addi %iota3A, %add3A_452 : vector<16xi32>
      %gather3A_454 = arith.constant 1 : i32
      %gather3A_455 = arith.constant 0 : i32
      %gather3A_456 = arith.constant 0 : i32
      %gather3A_457 = tpu.memref_slice %arg11[%gather3A_454, %gather3A_455, %gather3A_456] : memref<4x32x128xf32, #tpu.memory_space<vmem>> -> memref<1x32x128xf32, #tpu.memory_space<vmem>>
      %gather3A_458 = tpu.memref_squeeze %gather3A_457 : memref<1x32x128xf32, #tpu.memory_space<vmem>> -> memref<32x128xf32, #tpu.memory_space<vmem>>
      %gather3A_459 = tpu.vector_load_idx %gather3A_458[%add3A_453, %broadcast_in_dim3A_444] : memref<32x128xf32, #tpu.memory_space<vmem>>[vector<16xi32>, vector<16xi32>], vector<16xf32>,
      %and3A_460 = arith.constant 127 : i32
      %and3A_461 = arith.andi %add3A_359, %and3A_460 : i32
      %broadcast_in_dim3A_462 = vector.broadcast %and3A_461 : i32 to vector<16xi32>
      tpu.vector_store_idx %arg13[%broadcast_in_dim3A_462, %iota3A], %gather3A_450 : memref<128x32xf32, #tpu.memory_space<vmem>>[vector<16xi32>, vector<16xi32>], vector<16xf32>,
      %add3A_463 = arith.constant 16 : i32
      %add3A_464 = vector.broadcast %add3A_463 : i32 to vector<16xi32>
      %add3A_465 = arith.addi %iota3A, %add3A_464 : vector<16xi32>
      tpu.vector_store_idx %arg13[%broadcast_in_dim3A_462, %add3A_465], %gather3A_459 : memref<128x32xf32, #tpu.memory_space<vmem>>[vector<16xi32>, vector<16xi32>], vector<16xf32>,
      %add3A_466 = arith.constant 1 : i32
      %add3A_467 = arith.addi %scan3A_243, %add3A_466 : i32
      %lt3A_468 = arith.constant 128 : i32
      %lt3A_469 = arith.cmpi slt, %add3A_467, %lt3A_468 : i32
      %convert_element_type3A_470 = arith.extui %lt3A_469 : i1 to i32
      %cond3A_471 = arith.constant 0 : i32
      %cond3A_472 = arith.cmpi ne, %convert_element_type3A_470, %cond3A_471 : i32
      scf.if %cond3A_472 {
        %add3A_715 = arith.constant 4 : i32
        %add3A_716 = arith.addi %add3A_359, %add3A_715 : i32
        %shift_right_arithmetic3A_717 = arith.constant 4 : i32
        %shift_right_arithmetic3A_718 = arith.shrsi %add3A_716, %shift_right_arithmetic3A_717 : i32
        %get3A_719 = arith.index_cast %shift_right_arithmetic3A_718 : i32 to index
        %get3A_720 = arith.constant 0 : index
        %get3A_721 = tpu.vector_load %arg8[%get3A_719, %get3A_720] {strides = array<i32>} : memref<32x16xi32, #tpu.memory_space<vmem>>, vector<16xi32>,
        %and3A_722 = arith.constant 15 : i32
        %and3A_723 = arith.andi %add3A_716, %and3A_722 : i32
        %eq3A_724 = vector.broadcast %and3A_723 : i32 to vector<16xi32>
        %eq3A_725 = arith.cmpi eq, %iota3A, %eq3A_724 : vector<16xi32>
        %select_n3A_726 = arith.select %eq3A_725, %get3A_721, %broadcast_in_dim3A_3 : vector<16xi1>, vector<16xi32>
        %reduce_sum3A_727 = arith.constant true
        %reduce_sum3A_728 = vector.broadcast %reduce_sum3A_727 : i1 to vector<16xi1>
        %reduce_sum3A_729 = tpu.scan <sum>, %select_n3A_726 masked %reduce_sum3A_728 : vector<16xi32>, vector<16xi1> -> vector<16xi32>
        %reduce_sum3A_730 = vector.extract %reduce_sum3A_729[15] : i32 from vector<16xi32>
        %shift_right_arithmetic3A_731 = arith.constant 7 : i32
        %shift_right_arithmetic3A_732 = arith.shrsi %reduce_sum3A_730, %shift_right_arithmetic3A_731 : i32
        %mul3A_733 = arith.constant 128 : i32
        %mul3A_734 = arith.muli %shift_right_arithmetic3A_732, %mul3A_733 : i32
        %multiple_of3A_735 = tpu.assume_multiple %mul3A_734, 128 : i32
        %dma_start3A_736 = arith.constant 1 : i32
        %dma_start3A_737 = arith.constant 0 : i32
        %dma_start3A_738 = arith.constant 0 : i32
        %dma_start3A_739 = tpu.memref_slice %arg10[%dma_start3A_736, %dma_start3A_737, %dma_start3A_738] : memref<4x32x128xf32, #tpu.memory_space<vmem>> -> memref<1x32x128xf32, #tpu.memory_space<vmem>>
        %dma_start3A_740 = tpu.memref_squeeze %dma_start3A_739 : memref<1x32x128xf32, #tpu.memory_space<vmem>> -> memref<32x128xf32, #tpu.memory_space<vmem>>
        %dma_start3A_741 = arith.constant 0 : i32
        %dma_start3A_742 = tpu.memref_slice %arg4[%dma_start3A_741, %multiple_of3A_735] : memref<32x1000000xf32, #tpu.memory_space<hbm>> -> memref<32x128xf32, #tpu.memory_space<hbm>>
        %dma_start3A_743 = arith.constant 0 : i32
        %dma_start3A_744 = arith.constant 0 : i32
        %dma_start3A_745 = tpu.memref_slice %arg10[%dma_start3A_736, %dma_start3A_743, %dma_start3A_744] : memref<4x32x128xf32, #tpu.memory_space<vmem>> -> memref<1x32x128xf32, #tpu.memory_space<vmem>>
        %dma_start3A_746 = tpu.memref_squeeze %dma_start3A_745 : memref<1x32x128xf32, #tpu.memory_space<vmem>> -> memref<32x128xf32, #tpu.memory_space<vmem>>
        %dma_start3A_747 = arith.constant 0 : i32
        %dma_start3A_748 = tpu.memref_slice %arg4[%dma_start3A_747, %multiple_of3A_735] : memref<32x1000000xf32, #tpu.memory_space<hbm>> -> memref<32x128xf32, #tpu.memory_space<hbm>>
        tpu.enqueue_dma source(%dma_start3A_748 : memref<32x128xf32, #tpu.memory_space<hbm>>) target(%dma_start3A_746 : memref<32x128xf32, #tpu.memory_space<vmem>>) target_semaphore(%arg15 : memref<!tpu.dma_semaphore, #tpu.memory_space<semaphore_mem>>)
        %add3A_749 = arith.constant 4 : i32
        %add3A_750 = arith.addi %add3A_359, %add3A_749 : i32
        %shift_right_arithmetic3A_751 = arith.constant 4 : i32
        %shift_right_arithmetic3A_752 = arith.shrsi %add3A_750, %shift_right_arithmetic3A_751 : i32
        %get3A_753 = arith.index_cast %shift_right_arithmetic3A_752 : i32 to index
        %get3A_754 = arith.constant 0 : index
        %get3A_755 = tpu.vector_load %arg9[%get3A_753, %get3A_754] {strides = array<i32>} : memref<32x16xi32, #tpu.memory_space<vmem>>, vector<16xi32>,
        %and3A_756 = arith.constant 15 : i32
        %and3A_757 = arith.andi %add3A_750, %and3A_756 : i32
        %eq3A_758 = vector.broadcast %and3A_757 : i32 to vector<16xi32>
        %eq3A_759 = arith.cmpi eq, %iota3A, %eq3A_758 : vector<16xi32>
        %select_n3A_760 = arith.select %eq3A_759, %get3A_755, %broadcast_in_dim3A_3 : vector<16xi1>, vector<16xi32>
        %reduce_sum3A_761 = arith.constant true
        %reduce_sum3A_762 = vector.broadcast %reduce_sum3A_761 : i1 to vector<16xi1>
        %reduce_sum3A_763 = tpu.scan <sum>, %select_n3A_760 masked %reduce_sum3A_762 : vector<16xi32>, vector<16xi1> -> vector<16xi32>
        %reduce_sum3A_764 = vector.extract %reduce_sum3A_763[15] : i32 from vector<16xi32>
        %shift_right_arithmetic3A_765 = arith.constant 7 : i32
        %shift_right_arithmetic3A_766 = arith.shrsi %reduce_sum3A_764, %shift_right_arithmetic3A_765 : i32
        %mul3A_767 = arith.constant 128 : i32
        %mul3A_768 = arith.muli %shift_right_arithmetic3A_766, %mul3A_767 : i32
        %multiple_of3A_769 = tpu.assume_multiple %mul3A_768, 128 : i32
        %dma_start3A_770 = arith.constant 1 : i32
        %dma_start3A_771 = arith.constant 0 : i32
        %dma_start3A_772 = arith.constant 0 : i32
        %dma_start3A_773 = tpu.memref_slice %arg11[%dma_start3A_770, %dma_start3A_771, %dma_start3A_772] : memref<4x32x128xf32, #tpu.memory_space<vmem>> -> memref<1x32x128xf32, #tpu.memory_space<vmem>>
        %dma_start3A_774 = tpu.memref_squeeze %dma_start3A_773 : memref<1x32x128xf32, #tpu.memory_space<vmem>> -> memref<32x128xf32, #tpu.memory_space<vmem>>
        %dma_start3A_775 = arith.constant 0 : i32
        %dma_start3A_776 = tpu.memref_slice %arg5[%dma_start3A_775, %multiple_of3A_769] : memref<32x1000000xf32, #tpu.memory_space<hbm>> -> memref<32x128xf32, #tpu.memory_space<hbm>>
        %dma_start3A_777 = arith.constant 0 : i32
        %dma_start3A_778 = arith.constant 0 : i32
        %dma_start3A_779 = tpu.memref_slice %arg11[%dma_start3A_770, %dma_start3A_777, %dma_start3A_778] : memref<4x32x128xf32, #tpu.memory_space<vmem>> -> memref<1x32x128xf32, #tpu.memory_space<vmem>>
        %dma_start3A_780 = tpu.memref_squeeze %dma_start3A_779 : memref<1x32x128xf32, #tpu.memory_space<vmem>> -> memref<32x128xf32, #tpu.memory_space<vmem>>
        %dma_start3A_781 = arith.constant 0 : i32
        %dma_start3A_782 = tpu.memref_slice %arg5[%dma_start3A_781, %multiple_of3A_769] : memref<32x1000000xf32, #tpu.memory_space<hbm>> -> memref<32x128xf32, #tpu.memory_space<hbm>>
        tpu.enqueue_dma source(%dma_start3A_782 : memref<32x128xf32, #tpu.memory_space<hbm>>) target(%dma_start3A_780 : memref<32x128xf32, #tpu.memory_space<vmem>>) target_semaphore(%arg19 : memref<!tpu.dma_semaphore, #tpu.memory_space<semaphore_mem>>)
      } else {
      }
      %mul3A_473 = arith.constant 4 : i32
      %mul3A_474 = arith.muli %scan3A_243, %mul3A_473 : i32
      %add3A_475 = arith.constant 2 : i32
      %add3A_476 = arith.addi %mul3A_474, %add3A_475 : i32
      %dma_wait3A_477 = arith.constant 2 : i32
      %dma_wait3A_478 = arith.constant 0 : i32
      %dma_wait3A_479 = arith.constant 0 : i32
      %dma_wait3A_480 = tpu.memref_slice %arg10[%dma_wait3A_477, %dma_wait3A_478, %dma_wait3A_479] : memref<4x32x128xf32, #tpu.memory_space<vmem>> -> memref<1x32x128xf32, #tpu.memory_space<vmem>>
      %dma_wait3A_481 = tpu.memref_squeeze %dma_wait3A_480 : memref<1x32x128xf32, #tpu.memory_space<vmem>> -> memref<32x128xf32, #tpu.memory_space<vmem>>
      %dma_wait3A_482 = arith.constant 0 : i32
      %dma_wait3A_483 = arith.constant 0 : i32
      %dma_wait3A_484 = tpu.memref_slice %arg4[%dma_wait3A_482, %dma_wait3A_483] : memref<32x1000000xf32, #tpu.memory_space<hbm>> -> memref<32x128xf32, #tpu.memory_space<hbm>>
      %dma_wait3A_485 = arith.constant 0 : i32
      %dma_wait3A_486 = arith.constant 0 : i32
      %dma_wait3A_487 = tpu.memref_slice %arg10[%dma_wait3A_477, %dma_wait3A_485, %dma_wait3A_486] : memref<4x32x128xf32, #tpu.memory_space<vmem>> -> memref<1x32x128xf32, #tpu.memory_space<vmem>>
      %dma_wait3A_488 = tpu.memref_squeeze %dma_wait3A_487 : memref<1x32x128xf32, #tpu.memory_space<vmem>> -> memref<32x128xf32, #tpu.memory_space<vmem>>
      %dma_wait3A_489 = arith.constant 0 : i32
      %dma_wait3A_490 = arith.constant 0 : i32
      %dma_wait3A_491 = tpu.memref_slice %arg4[%dma_wait3A_489, %dma_wait3A_490] : memref<32x1000000xf32, #tpu.memory_space<hbm>> -> memref<32x128xf32, #tpu.memory_space<hbm>>
      tpu.wait_dma2 semaphore(%arg16 : memref<!tpu.dma_semaphore, #tpu.memory_space<semaphore_mem>>) src(%dma_wait3A_491 : memref<32x128xf32, #tpu.memory_space<hbm>>) dst(%dma_wait3A_488 : memref<32x128xf32, #tpu.memory_space<vmem>>)
      %shift_right_arithmetic3A_492 = arith.constant 4 : i32
      %shift_right_arithmetic3A_493 = arith.shrsi %add3A_476, %shift_right_arithmetic3A_492 : i32
      %get3A_494 = arith.index_cast %shift_right_arithmetic3A_493 : i32 to index
      %get3A_495 = arith.constant 0 : index
      %get3A_496 = tpu.vector_load %arg8[%get3A_494, %get3A_495] {strides = array<i32>} : memref<32x16xi32, #tpu.memory_space<vmem>>, vector<16xi32>,
      %and3A_497 = arith.constant 15 : i32
      %and3A_498 = arith.andi %add3A_476, %and3A_497 : i32
      %eq3A_499 = vector.broadcast %and3A_498 : i32 to vector<16xi32>
      %eq3A_500 = arith.cmpi eq, %iota3A, %eq3A_499 : vector<16xi32>
      %select_n3A_501 = arith.select %eq3A_500, %get3A_496, %broadcast_in_dim3A_3 : vector<16xi1>, vector<16xi32>
      %reduce_sum3A_502 = arith.constant true
      %reduce_sum3A_503 = vector.broadcast %reduce_sum3A_502 : i1 to vector<16xi1>
      %reduce_sum3A_504 = tpu.scan <sum>, %select_n3A_501 masked %reduce_sum3A_503 : vector<16xi32>, vector<16xi1> -> vector<16xi32>
      %reduce_sum3A_505 = vector.extract %reduce_sum3A_504[15] : i32 from vector<16xi32>
      %and3A_506 = arith.constant 127 : i32
      %and3A_507 = arith.andi %reduce_sum3A_505, %and3A_506 : i32
      %broadcast_in_dim3A_508 = vector.broadcast %and3A_507 : i32 to vector<16xi32>
      %gather3A_509 = arith.constant 2 : i32
      %gather3A_510 = arith.constant 0 : i32
      %gather3A_511 = arith.constant 0 : i32
      %gather3A_512 = tpu.memref_slice %arg10[%gather3A_509, %gather3A_510, %gather3A_511] : memref<4x32x128xf32, #tpu.memory_space<vmem>> -> memref<1x32x128xf32, #tpu.memory_space<vmem>>
      %gather3A_513 = tpu.memref_squeeze %gather3A_512 : memref<1x32x128xf32, #tpu.memory_space<vmem>> -> memref<32x128xf32, #tpu.memory_space<vmem>>
      %gather3A_514 = tpu.vector_load_idx %gather3A_513[%iota3A, %broadcast_in_dim3A_508] : memref<32x128xf32, #tpu.memory_space<vmem>>[vector<16xi32>, vector<16xi32>], vector<16xf32>,
      %add3A_515 = arith.constant 16 : i32
      %add3A_516 = vector.broadcast %add3A_515 : i32 to vector<16xi32>
      %add3A_517 = arith.addi %iota3A, %add3A_516 : vector<16xi32>
      %gather3A_518 = arith.constant 2 : i32
      %gather3A_519 = arith.constant 0 : i32
      %gather3A_520 = arith.constant 0 : i32
      %gather3A_521 = tpu.memref_slice %arg10[%gather3A_518, %gather3A_519, %gather3A_520] : memref<4x32x128xf32, #tpu.memory_space<vmem>> -> memref<1x32x128xf32, #tpu.memory_space<vmem>>
      %gather3A_522 = tpu.memref_squeeze %gather3A_521 : memref<1x32x128xf32, #tpu.memory_space<vmem>> -> memref<32x128xf32, #tpu.memory_space<vmem>>
      %gather3A_523 = tpu.vector_load_idx %gather3A_522[%add3A_517, %broadcast_in_dim3A_508] : memref<32x128xf32, #tpu.memory_space<vmem>>[vector<16xi32>, vector<16xi32>], vector<16xf32>,
      %and3A_524 = arith.constant 127 : i32
      %and3A_525 = arith.andi %add3A_476, %and3A_524 : i32
      %broadcast_in_dim3A_526 = vector.broadcast %and3A_525 : i32 to vector<16xi32>
      tpu.vector_store_idx %arg12[%broadcast_in_dim3A_526, %iota3A], %gather3A_514 : memref<128x32xf32, #tpu.memory_space<vmem>>[vector<16xi32>, vector<16xi32>], vector<16xf32>,
      %add3A_527 = arith.constant 16 : i32
      %add3A_528 = vector.broadcast %add3A_527 : i32 to vector<16xi32>
      %add3A_529 = arith.addi %iota3A, %add3A_528 : vector<16xi32>
      tpu.vector_store_idx %arg12[%broadcast_in_dim3A_526, %add3A_529], %gather3A_523 : memref<128x32xf32, #tpu.memory_space<vmem>>[vector<16xi32>, vector<16xi32>], vector<16xf32>,
      %dma_wait3A_530 = arith.constant 2 : i32
      %dma_wait3A_531 = arith.constant 0 : i32
      %dma_wait3A_532 = arith.constant 0 : i32
      %dma_wait3A_533 = tpu.memref_slice %arg11[%dma_wait3A_530, %dma_wait3A_531, %dma_wait3A_532] : memref<4x32x128xf32, #tpu.memory_space<vmem>> -> memref<1x32x128xf32, #tpu.memory_space<vmem>>
      %dma_wait3A_534 = tpu.memref_squeeze %dma_wait3A_533 : memref<1x32x128xf32, #tpu.memory_space<vmem>> -> memref<32x128xf32, #tpu.memory_space<vmem>>
      %dma_wait3A_535 = arith.constant 0 : i32
      %dma_wait3A_536 = arith.constant 0 : i32
      %dma_wait3A_537 = tpu.memref_slice %arg5[%dma_wait3A_535, %dma_wait3A_536] : memref<32x1000000xf32, #tpu.memory_space<hbm>> -> memref<32x128xf32, #tpu.memory_space<hbm>>
      %dma_wait3A_538 = arith.constant 0 : i32
      %dma_wait3A_539 = arith.constant 0 : i32
      %dma_wait3A_540 = tpu.memref_slice %arg11[%dma_wait3A_530, %dma_wait3A_538, %dma_wait3A_539] : memref<4x32x128xf32, #tpu.memory_space<vmem>> -> memref<1x32x128xf32, #tpu.memory_space<vmem>>
      %dma_wait3A_541 = tpu.memref_squeeze %dma_wait3A_540 : memref<1x32x128xf32, #tpu.memory_space<vmem>> -> memref<32x128xf32, #tpu.memory_space<vmem>>
      %dma_wait3A_542 = arith.constant 0 : i32
      %dma_wait3A_543 = arith.constant 0 : i32
      %dma_wait3A_544 = tpu.memref_slice %arg5[%dma_wait3A_542, %dma_wait3A_543] : memref<32x1000000xf32, #tpu.memory_space<hbm>> -> memref<32x128xf32, #tpu.memory_space<hbm>>
      tpu.wait_dma2 semaphore(%arg20 : memref<!tpu.dma_semaphore, #tpu.memory_space<semaphore_mem>>) src(%dma_wait3A_544 : memref<32x128xf32, #tpu.memory_space<hbm>>) dst(%dma_wait3A_541 : memref<32x128xf32, #tpu.memory_space<vmem>>)
      %shift_right_arithmetic3A_545 = arith.constant 4 : i32
      %shift_right_arithmetic3A_546 = arith.shrsi %add3A_476, %shift_right_arithmetic3A_545 : i32
      %get3A_547 = arith.index_cast %shift_right_arithmetic3A_546 : i32 to index
      %get3A_548 = arith.constant 0 : index
      %get3A_549 = tpu.vector_load %arg9[%get3A_547, %get3A_548] {strides = array<i32>} : memref<32x16xi32, #tpu.memory_space<vmem>>, vector<16xi32>,
      %and3A_550 = arith.constant 15 : i32
      %and3A_551 = arith.andi %add3A_476, %and3A_550 : i32
      %eq3A_552 = vector.broadcast %and3A_551 : i32 to vector<16xi32>
      %eq3A_553 = arith.cmpi eq, %iota3A, %eq3A_552 : vector<16xi32>
      %select_n3A_554 = arith.select %eq3A_553, %get3A_549, %broadcast_in_dim3A_3 : vector<16xi1>, vector<16xi32>
      %reduce_sum3A_555 = arith.constant true
      %reduce_sum3A_556 = vector.broadcast %reduce_sum3A_555 : i1 to vector<16xi1>
      %reduce_sum3A_557 = tpu.scan <sum>, %select_n3A_554 masked %reduce_sum3A_556 : vector<16xi32>, vector<16xi1> -> vector<16xi32>
      %reduce_sum3A_558 = vector.extract %reduce_sum3A_557[15] : i32 from vector<16xi32>
      %and3A_559 = arith.constant 127 : i32
      %and3A_560 = arith.andi %reduce_sum3A_558, %and3A_559 : i32
      %broadcast_in_dim3A_561 = vector.broadcast %and3A_560 : i32 to vector<16xi32>
      %gather3A_562 = arith.constant 2 : i32
      %gather3A_563 = arith.constant 0 : i32
      %gather3A_564 = arith.constant 0 : i32
      %gather3A_565 = tpu.memref_slice %arg11[%gather3A_562, %gather3A_563, %gather3A_564] : memref<4x32x128xf32, #tpu.memory_space<vmem>> -> memref<1x32x128xf32, #tpu.memory_space<vmem>>
      %gather3A_566 = tpu.memref_squeeze %gather3A_565 : memref<1x32x128xf32, #tpu.memory_space<vmem>> -> memref<32x128xf32, #tpu.memory_space<vmem>>
      %gather3A_567 = tpu.vector_load_idx %gather3A_566[%iota3A, %broadcast_in_dim3A_561] : memref<32x128xf32, #tpu.memory_space<vmem>>[vector<16xi32>, vector<16xi32>], vector<16xf32>,
      %add3A_568 = arith.constant 16 : i32
      %add3A_569 = vector.broadcast %add3A_568 : i32 to vector<16xi32>
      %add3A_570 = arith.addi %iota3A, %add3A_569 : vector<16xi32>
      %gather3A_571 = arith.constant 2 : i32
      %gather3A_572 = arith.constant 0 : i32
      %gather3A_573 = arith.constant 0 : i32
      %gather3A_574 = tpu.memref_slice %arg11[%gather3A_571, %gather3A_572, %gather3A_573] : memref<4x32x128xf32, #tpu.memory_space<vmem>> -> memref<1x32x128xf32, #tpu.memory_space<vmem>>
      %gather3A_575 = tpu.memref_squeeze %gather3A_574 : memref<1x32x128xf32, #tpu.memory_space<vmem>> -> memref<32x128xf32, #tpu.memory_space<vmem>>
      %gather3A_576 = tpu.vector_load_idx %gather3A_575[%add3A_570, %broadcast_in_dim3A_561] : memref<32x128xf32, #tpu.memory_space<vmem>>[vector<16xi32>, vector<16xi32>], vector<16xf32>,
      %and3A_577 = arith.constant 127 : i32
      %and3A_578 = arith.andi %add3A_476, %and3A_577 : i32
      %broadcast_in_dim3A_579 = vector.broadcast %and3A_578 : i32 to vector<16xi32>
      tpu.vector_store_idx %arg13[%broadcast_in_dim3A_579, %iota3A], %gather3A_567 : memref<128x32xf32, #tpu.memory_space<vmem>>[vector<16xi32>, vector<16xi32>], vector<16xf32>,
      %add3A_580 = arith.constant 16 : i32
      %add3A_581 = vector.broadcast %add3A_580 : i32 to vector<16xi32>
      %add3A_582 = arith.addi %iota3A, %add3A_581 : vector<16xi32>
      tpu.vector_store_idx %arg13[%broadcast_in_dim3A_579, %add3A_582], %gather3A_576 : memref<128x32xf32, #tpu.memory_space<vmem>>[vector<16xi32>, vector<16xi32>], vector<16xf32>,
      %add3A_583 = arith.constant 1 : i32
      %add3A_584 = arith.addi %scan3A_243, %add3A_583 : i32
      %lt3A_585 = arith.constant 128 : i32
      %lt3A_586 = arith.cmpi slt, %add3A_584, %lt3A_585 : i32
      %convert_element_type3A_587 = arith.extui %lt3A_586 : i1 to i32
      %cond3A_588 = arith.constant 0 : i32
      %cond3A_589 = arith.cmpi ne, %convert_element_type3A_587, %cond3A_588 : i32
      scf.if %cond3A_589 {
        %add3A_715 = arith.constant 4 : i32
        %add3A_716 = arith.addi %add3A_476, %add3A_715 : i32
        %shift_right_arithmetic3A_717 = arith.constant 4 : i32
        %shift_right_arithmetic3A_718 = arith.shrsi %add3A_716, %shift_right_arithmetic3A_717 : i32
        %get3A_719 = arith.index_cast %shift_right_arithmetic3A_718 : i32 to index
        %get3A_720 = arith.constant 0 : index
        %get3A_721 = tpu.vector_load %arg8[%get3A_719, %get3A_720] {strides = array<i32>} : memref<32x16xi32, #tpu.memory_space<vmem>>, vector<16xi32>,
        %and3A_722 = arith.constant 15 : i32
        %and3A_723 = arith.andi %add3A_716, %and3A_722 : i32
        %eq3A_724 = vector.broadcast %and3A_723 : i32 to vector<16xi32>
        %eq3A_725 = arith.cmpi eq, %iota3A, %eq3A_724 : vector<16xi32>
        %select_n3A_726 = arith.select %eq3A_725, %get3A_721, %broadcast_in_dim3A_3 : vector<16xi1>, vector<16xi32>
        %reduce_sum3A_727 = arith.constant true
        %reduce_sum3A_728 = vector.broadcast %reduce_sum3A_727 : i1 to vector<16xi1>
        %reduce_sum3A_729 = tpu.scan <sum>, %select_n3A_726 masked %reduce_sum3A_728 : vector<16xi32>, vector<16xi1> -> vector<16xi32>
        %reduce_sum3A_730 = vector.extract %reduce_sum3A_729[15] : i32 from vector<16xi32>
        %shift_right_arithmetic3A_731 = arith.constant 7 : i32
        %shift_right_arithmetic3A_732 = arith.shrsi %reduce_sum3A_730, %shift_right_arithmetic3A_731 : i32
        %mul3A_733 = arith.constant 128 : i32
        %mul3A_734 = arith.muli %shift_right_arithmetic3A_732, %mul3A_733 : i32
        %multiple_of3A_735 = tpu.assume_multiple %mul3A_734, 128 : i32
        %dma_start3A_736 = arith.constant 2 : i32
        %dma_start3A_737 = arith.constant 0 : i32
        %dma_start3A_738 = arith.constant 0 : i32
        %dma_start3A_739 = tpu.memref_slice %arg10[%dma_start3A_736, %dma_start3A_737, %dma_start3A_738] : memref<4x32x128xf32, #tpu.memory_space<vmem>> -> memref<1x32x128xf32, #tpu.memory_space<vmem>>
        %dma_start3A_740 = tpu.memref_squeeze %dma_start3A_739 : memref<1x32x128xf32, #tpu.memory_space<vmem>> -> memref<32x128xf32, #tpu.memory_space<vmem>>
        %dma_start3A_741 = arith.constant 0 : i32
        %dma_start3A_742 = tpu.memref_slice %arg4[%dma_start3A_741, %multiple_of3A_735] : memref<32x1000000xf32, #tpu.memory_space<hbm>> -> memref<32x128xf32, #tpu.memory_space<hbm>>
        %dma_start3A_743 = arith.constant 0 : i32
        %dma_start3A_744 = arith.constant 0 : i32
        %dma_start3A_745 = tpu.memref_slice %arg10[%dma_start3A_736, %dma_start3A_743, %dma_start3A_744] : memref<4x32x128xf32, #tpu.memory_space<vmem>> -> memref<1x32x128xf32, #tpu.memory_space<vmem>>
        %dma_start3A_746 = tpu.memref_squeeze %dma_start3A_745 : memref<1x32x128xf32, #tpu.memory_space<vmem>> -> memref<32x128xf32, #tpu.memory_space<vmem>>
        %dma_start3A_747 = arith.constant 0 : i32
        %dma_start3A_748 = tpu.memref_slice %arg4[%dma_start3A_747, %multiple_of3A_735] : memref<32x1000000xf32, #tpu.memory_space<hbm>> -> memref<32x128xf32, #tpu.memory_space<hbm>>
        tpu.enqueue_dma source(%dma_start3A_748 : memref<32x128xf32, #tpu.memory_space<hbm>>) target(%dma_start3A_746 : memref<32x128xf32, #tpu.memory_space<vmem>>) target_semaphore(%arg16 : memref<!tpu.dma_semaphore, #tpu.memory_space<semaphore_mem>>)
        %add3A_749 = arith.constant 4 : i32
        %add3A_750 = arith.addi %add3A_476, %add3A_749 : i32
        %shift_right_arithmetic3A_751 = arith.constant 4 : i32
        %shift_right_arithmetic3A_752 = arith.shrsi %add3A_750, %shift_right_arithmetic3A_751 : i32
        %get3A_753 = arith.index_cast %shift_right_arithmetic3A_752 : i32 to index
        %get3A_754 = arith.constant 0 : index
        %get3A_755 = tpu.vector_load %arg9[%get3A_753, %get3A_754] {strides = array<i32>} : memref<32x16xi32, #tpu.memory_space<vmem>>, vector<16xi32>,
        %and3A_756 = arith.constant 15 : i32
        %and3A_757 = arith.andi %add3A_750, %and3A_756 : i32
        %eq3A_758 = vector.broadcast %and3A_757 : i32 to vector<16xi32>
        %eq3A_759 = arith.cmpi eq, %iota3A, %eq3A_758 : vector<16xi32>
        %select_n3A_760 = arith.select %eq3A_759, %get3A_755, %broadcast_in_dim3A_3 : vector<16xi1>, vector<16xi32>
        %reduce_sum3A_761 = arith.constant true
        %reduce_sum3A_762 = vector.broadcast %reduce_sum3A_761 : i1 to vector<16xi1>
        %reduce_sum3A_763 = tpu.scan <sum>, %select_n3A_760 masked %reduce_sum3A_762 : vector<16xi32>, vector<16xi1> -> vector<16xi32>
        %reduce_sum3A_764 = vector.extract %reduce_sum3A_763[15] : i32 from vector<16xi32>
        %shift_right_arithmetic3A_765 = arith.constant 7 : i32
        %shift_right_arithmetic3A_766 = arith.shrsi %reduce_sum3A_764, %shift_right_arithmetic3A_765 : i32
        %mul3A_767 = arith.constant 128 : i32
        %mul3A_768 = arith.muli %shift_right_arithmetic3A_766, %mul3A_767 : i32
        %multiple_of3A_769 = tpu.assume_multiple %mul3A_768, 128 : i32
        %dma_start3A_770 = arith.constant 2 : i32
        %dma_start3A_771 = arith.constant 0 : i32
        %dma_start3A_772 = arith.constant 0 : i32
        %dma_start3A_773 = tpu.memref_slice %arg11[%dma_start3A_770, %dma_start3A_771, %dma_start3A_772] : memref<4x32x128xf32, #tpu.memory_space<vmem>> -> memref<1x32x128xf32, #tpu.memory_space<vmem>>
        %dma_start3A_774 = tpu.memref_squeeze %dma_start3A_773 : memref<1x32x128xf32, #tpu.memory_space<vmem>> -> memref<32x128xf32, #tpu.memory_space<vmem>>
        %dma_start3A_775 = arith.constant 0 : i32
        %dma_start3A_776 = tpu.memref_slice %arg5[%dma_start3A_775, %multiple_of3A_769] : memref<32x1000000xf32, #tpu.memory_space<hbm>> -> memref<32x128xf32, #tpu.memory_space<hbm>>
        %dma_start3A_777 = arith.constant 0 : i32
        %dma_start3A_778 = arith.constant 0 : i32
        %dma_start3A_779 = tpu.memref_slice %arg11[%dma_start3A_770, %dma_start3A_777, %dma_start3A_778] : memref<4x32x128xf32, #tpu.memory_space<vmem>> -> memref<1x32x128xf32, #tpu.memory_space<vmem>>
        %dma_start3A_780 = tpu.memref_squeeze %dma_start3A_779 : memref<1x32x128xf32, #tpu.memory_space<vmem>> -> memref<32x128xf32, #tpu.memory_space<vmem>>
        %dma_start3A_781 = arith.constant 0 : i32
        %dma_start3A_782 = tpu.memref_slice %arg5[%dma_start3A_781, %multiple_of3A_769] : memref<32x1000000xf32, #tpu.memory_space<hbm>> -> memref<32x128xf32, #tpu.memory_space<hbm>>
        tpu.enqueue_dma source(%dma_start3A_782 : memref<32x128xf32, #tpu.memory_space<hbm>>) target(%dma_start3A_780 : memref<32x128xf32, #tpu.memory_space<vmem>>) target_semaphore(%arg20 : memref<!tpu.dma_semaphore, #tpu.memory_space<semaphore_mem>>)
      } else {
      }
      %mul3A_590 = arith.constant 4 : i32
      %mul3A_591 = arith.muli %scan3A_243, %mul3A_590 : i32
      %add3A_592 = arith.constant 3 : i32
      %add3A_593 = arith.addi %mul3A_591, %add3A_592 : i32
      %dma_wait3A_594 = arith.constant 3 : i32
      %dma_wait3A_595 = arith.constant 0 : i32
      %dma_wait3A_596 = arith.constant 0 : i32
      %dma_wait3A_597 = tpu.memref_slice %arg10[%dma_wait3A_594, %dma_wait3A_595, %dma_wait3A_596] : memref<4x32x128xf32, #tpu.memory_space<vmem>> -> memref<1x32x128xf32, #tpu.memory_space<vmem>>
      %dma_wait3A_598 = tpu.memref_squeeze %dma_wait3A_597 : memref<1x32x128xf32, #tpu.memory_space<vmem>> -> memref<32x128xf32, #tpu.memory_space<vmem>>
      %dma_wait3A_599 = arith.constant 0 : i32
      %dma_wait3A_600 = arith.constant 0 : i32
      %dma_wait3A_601 = tpu.memref_slice %arg4[%dma_wait3A_599, %dma_wait3A_600] : memref<32x1000000xf32, #tpu.memory_space<hbm>> -> memref<32x128xf32, #tpu.memory_space<hbm>>
      %dma_wait3A_602 = arith.constant 0 : i32
      %dma_wait3A_603 = arith.constant 0 : i32
      %dma_wait3A_604 = tpu.memref_slice %arg10[%dma_wait3A_594, %dma_wait3A_602, %dma_wait3A_603] : memref<4x32x128xf32, #tpu.memory_space<vmem>> -> memref<1x32x128xf32, #tpu.memory_space<vmem>>
      %dma_wait3A_605 = tpu.memref_squeeze %dma_wait3A_604 : memref<1x32x128xf32, #tpu.memory_space<vmem>> -> memref<32x128xf32, #tpu.memory_space<vmem>>
      %dma_wait3A_606 = arith.constant 0 : i32
      %dma_wait3A_607 = arith.constant 0 : i32
      %dma_wait3A_608 = tpu.memref_slice %arg4[%dma_wait3A_606, %dma_wait3A_607] : memref<32x1000000xf32, #tpu.memory_space<hbm>> -> memref<32x128xf32, #tpu.memory_space<hbm>>
      tpu.wait_dma2 semaphore(%arg17 : memref<!tpu.dma_semaphore, #tpu.memory_space<semaphore_mem>>) src(%dma_wait3A_608 : memref<32x128xf32, #tpu.memory_space<hbm>>) dst(%dma_wait3A_605 : memref<32x128xf32, #tpu.memory_space<vmem>>)
      %shift_right_arithmetic3A_609 = arith.constant 4 : i32
      %shift_right_arithmetic3A_610 = arith.shrsi %add3A_593, %shift_right_arithmetic3A_609 : i32
      %get3A_611 = arith.index_cast %shift_right_arithmetic3A_610 : i32 to index
      %get3A_612 = arith.constant 0 : index
      %get3A_613 = tpu.vector_load %arg8[%get3A_611, %get3A_612] {strides = array<i32>} : memref<32x16xi32, #tpu.memory_space<vmem>>, vector<16xi32>,
      %and3A_614 = arith.constant 15 : i32
      %and3A_615 = arith.andi %add3A_593, %and3A_614 : i32
      %eq3A_616 = vector.broadcast %and3A_615 : i32 to vector<16xi32>
      %eq3A_617 = arith.cmpi eq, %iota3A, %eq3A_616 : vector<16xi32>
      %select_n3A_618 = arith.select %eq3A_617, %get3A_613, %broadcast_in_dim3A_3 : vector<16xi1>, vector<16xi32>
      %reduce_sum3A_619 = arith.constant true
      %reduce_sum3A_620 = vector.broadcast %reduce_sum3A_619 : i1 to vector<16xi1>
      %reduce_sum3A_621 = tpu.scan <sum>, %select_n3A_618 masked %reduce_sum3A_620 : vector<16xi32>, vector<16xi1> -> vector<16xi32>
      %reduce_sum3A_622 = vector.extract %reduce_sum3A_621[15] : i32 from vector<16xi32>
      %and3A_623 = arith.constant 127 : i32
      %and3A_624 = arith.andi %reduce_sum3A_622, %and3A_623 : i32
      %broadcast_in_dim3A_625 = vector.broadcast %and3A_624 : i32 to vector<16xi32>
      %gather3A_626 = arith.constant 3 : i32
      %gather3A_627 = arith.constant 0 : i32
      %gather3A_628 = arith.constant 0 : i32
      %gather3A_629 = tpu.memref_slice %arg10[%gather3A_626, %gather3A_627, %gather3A_628] : memref<4x32x128xf32, #tpu.memory_space<vmem>> -> memref<1x32x128xf32, #tpu.memory_space<vmem>>
      %gather3A_630 = tpu.memref_squeeze %gather3A_629 : memref<1x32x128xf32, #tpu.memory_space<vmem>> -> memref<32x128xf32, #tpu.memory_space<vmem>>
      %gather3A_631 = tpu.vector_load_idx %gather3A_630[%iota3A, %broadcast_in_dim3A_625] : memref<32x128xf32, #tpu.memory_space<vmem>>[vector<16xi32>, vector<16xi32>], vector<16xf32>,
      %add3A_632 = arith.constant 16 : i32
      %add3A_633 = vector.broadcast %add3A_632 : i32 to vector<16xi32>
      %add3A_634 = arith.addi %iota3A, %add3A_633 : vector<16xi32>
      %gather3A_635 = arith.constant 3 : i32
      %gather3A_636 = arith.constant 0 : i32
      %gather3A_637 = arith.constant 0 : i32
      %gather3A_638 = tpu.memref_slice %arg10[%gather3A_635, %gather3A_636, %gather3A_637] : memref<4x32x128xf32, #tpu.memory_space<vmem>> -> memref<1x32x128xf32, #tpu.memory_space<vmem>>
      %gather3A_639 = tpu.memref_squeeze %gather3A_638 : memref<1x32x128xf32, #tpu.memory_space<vmem>> -> memref<32x128xf32, #tpu.memory_space<vmem>>
      %gather3A_640 = tpu.vector_load_idx %gather3A_639[%add3A_634, %broadcast_in_dim3A_625] : memref<32x128xf32, #tpu.memory_space<vmem>>[vector<16xi32>, vector<16xi32>], vector<16xf32>,
      %and3A_641 = arith.constant 127 : i32
      %and3A_642 = arith.andi %add3A_593, %and3A_641 : i32
      %broadcast_in_dim3A_643 = vector.broadcast %and3A_642 : i32 to vector<16xi32>
      tpu.vector_store_idx %arg12[%broadcast_in_dim3A_643, %iota3A], %gather3A_631 : memref<128x32xf32, #tpu.memory_space<vmem>>[vector<16xi32>, vector<16xi32>], vector<16xf32>,
      %add3A_644 = arith.constant 16 : i32
      %add3A_645 = vector.broadcast %add3A_644 : i32 to vector<16xi32>
      %add3A_646 = arith.addi %iota3A, %add3A_645 : vector<16xi32>
      tpu.vector_store_idx %arg12[%broadcast_in_dim3A_643, %add3A_646], %gather3A_640 : memref<128x32xf32, #tpu.memory_space<vmem>>[vector<16xi32>, vector<16xi32>], vector<16xf32>,
      %dma_wait3A_647 = arith.constant 3 : i32
      %dma_wait3A_648 = arith.constant 0 : i32
      %dma_wait3A_649 = arith.constant 0 : i32
      %dma_wait3A_650 = tpu.memref_slice %arg11[%dma_wait3A_647, %dma_wait3A_648, %dma_wait3A_649] : memref<4x32x128xf32, #tpu.memory_space<vmem>> -> memref<1x32x128xf32, #tpu.memory_space<vmem>>
      %dma_wait3A_651 = tpu.memref_squeeze %dma_wait3A_650 : memref<1x32x128xf32, #tpu.memory_space<vmem>> -> memref<32x128xf32, #tpu.memory_space<vmem>>
      %dma_wait3A_652 = arith.constant 0 : i32
      %dma_wait3A_653 = arith.constant 0 : i32
      %dma_wait3A_654 = tpu.memref_slice %arg5[%dma_wait3A_652, %dma_wait3A_653] : memref<32x1000000xf32, #tpu.memory_space<hbm>> -> memref<32x128xf32, #tpu.memory_space<hbm>>
      %dma_wait3A_655 = arith.constant 0 : i32
      %dma_wait3A_656 = arith.constant 0 : i32
      %dma_wait3A_657 = tpu.memref_slice %arg11[%dma_wait3A_647, %dma_wait3A_655, %dma_wait3A_656] : memref<4x32x128xf32, #tpu.memory_space<vmem>> -> memref<1x32x128xf32, #tpu.memory_space<vmem>>
      %dma_wait3A_658 = tpu.memref_squeeze %dma_wait3A_657 : memref<1x32x128xf32, #tpu.memory_space<vmem>> -> memref<32x128xf32, #tpu.memory_space<vmem>>
      %dma_wait3A_659 = arith.constant 0 : i32
      %dma_wait3A_660 = arith.constant 0 : i32
      %dma_wait3A_661 = tpu.memref_slice %arg5[%dma_wait3A_659, %dma_wait3A_660] : memref<32x1000000xf32, #tpu.memory_space<hbm>> -> memref<32x128xf32, #tpu.memory_space<hbm>>
      tpu.wait_dma2 semaphore(%arg21 : memref<!tpu.dma_semaphore, #tpu.memory_space<semaphore_mem>>) src(%dma_wait3A_661 : memref<32x128xf32, #tpu.memory_space<hbm>>) dst(%dma_wait3A_658 : memref<32x128xf32, #tpu.memory_space<vmem>>)
      %shift_right_arithmetic3A_662 = arith.constant 4 : i32
      %shift_right_arithmetic3A_663 = arith.shrsi %add3A_593, %shift_right_arithmetic3A_662 : i32
      %get3A_664 = arith.index_cast %shift_right_arithmetic3A_663 : i32 to index
      %get3A_665 = arith.constant 0 : index
      %get3A_666 = tpu.vector_load %arg9[%get3A_664, %get3A_665] {strides = array<i32>} : memref<32x16xi32, #tpu.memory_space<vmem>>, vector<16xi32>,
      %and3A_667 = arith.constant 15 : i32
      %and3A_668 = arith.andi %add3A_593, %and3A_667 : i32
      %eq3A_669 = vector.broadcast %and3A_668 : i32 to vector<16xi32>
      %eq3A_670 = arith.cmpi eq, %iota3A, %eq3A_669 : vector<16xi32>
      %select_n3A_671 = arith.select %eq3A_670, %get3A_666, %broadcast_in_dim3A_3 : vector<16xi1>, vector<16xi32>
      %reduce_sum3A_672 = arith.constant true
      %reduce_sum3A_673 = vector.broadcast %reduce_sum3A_672 : i1 to vector<16xi1>
      %reduce_sum3A_674 = tpu.scan <sum>, %select_n3A_671 masked %reduce_sum3A_673 : vector<16xi32>, vector<16xi1> -> vector<16xi32>
      %reduce_sum3A_675 = vector.extract %reduce_sum3A_674[15] : i32 from vector<16xi32>
      %and3A_676 = arith.constant 127 : i32
      %and3A_677 = arith.andi %reduce_sum3A_675, %and3A_676 : i32
      %broadcast_in_dim3A_678 = vector.broadcast %and3A_677 : i32 to vector<16xi32>
      %gather3A_679 = arith.constant 3 : i32
      %gather3A_680 = arith.constant 0 : i32
      %gather3A_681 = arith.constant 0 : i32
      %gather3A_682 = tpu.memref_slice %arg11[%gather3A_679, %gather3A_680, %gather3A_681] : memref<4x32x128xf32, #tpu.memory_space<vmem>> -> memref<1x32x128xf32, #tpu.memory_space<vmem>>
      %gather3A_683 = tpu.memref_squeeze %gather3A_682 : memref<1x32x128xf32, #tpu.memory_space<vmem>> -> memref<32x128xf32, #tpu.memory_space<vmem>>
      %gather3A_684 = tpu.vector_load_idx %gather3A_683[%iota3A, %broadcast_in_dim3A_678] : memref<32x128xf32, #tpu.memory_space<vmem>>[vector<16xi32>, vector<16xi32>], vector<16xf32>,
      %add3A_685 = arith.constant 16 : i32
      %add3A_686 = vector.broadcast %add3A_685 : i32 to vector<16xi32>
      %add3A_687 = arith.addi %iota3A, %add3A_686 : vector<16xi32>
      %gather3A_688 = arith.constant 3 : i32
      %gather3A_689 = arith.constant 0 : i32
      %gather3A_690 = arith.constant 0 : i32
      %gather3A_691 = tpu.memref_slice %arg11[%gather3A_688, %gather3A_689, %gather3A_690] : memref<4x32x128xf32, #tpu.memory_space<vmem>> -> memref<1x32x128xf32, #tpu.memory_space<vmem>>
      %gather3A_692 = tpu.memref_squeeze %gather3A_691 : memref<1x32x128xf32, #tpu.memory_space<vmem>> -> memref<32x128xf32, #tpu.memory_space<vmem>>
      %gather3A_693 = tpu.vector_load_idx %gather3A_692[%add3A_687, %broadcast_in_dim3A_678] : memref<32x128xf32, #tpu.memory_space<vmem>>[vector<16xi32>, vector<16xi32>], vector<16xf32>,
      %and3A_694 = arith.constant 127 : i32
      %and3A_695 = arith.andi %add3A_593, %and3A_694 : i32
      %broadcast_in_dim3A_696 = vector.broadcast %and3A_695 : i32 to vector<16xi32>
      tpu.vector_store_idx %arg13[%broadcast_in_dim3A_696, %iota3A], %gather3A_684 : memref<128x32xf32, #tpu.memory_space<vmem>>[vector<16xi32>, vector<16xi32>], vector<16xf32>,
      %add3A_697 = arith.constant 16 : i32
      %add3A_698 = vector.broadcast %add3A_697 : i32 to vector<16xi32>
      %add3A_699 = arith.addi %iota3A, %add3A_698 : vector<16xi32>
      tpu.vector_store_idx %arg13[%broadcast_in_dim3A_696, %add3A_699], %gather3A_693 : memref<128x32xf32, #tpu.memory_space<vmem>>[vector<16xi32>, vector<16xi32>], vector<16xf32>,
      %add3A_700 = arith.constant 1 : i32
      %add3A_701 = arith.addi %scan3A_243, %add3A_700 : i32
      %lt3A_702 = arith.constant 128 : i32
      %lt3A_703 = arith.cmpi slt, %add3A_701, %lt3A_702 : i32
      %convert_element_type3A_704 = arith.extui %lt3A_703 : i1 to i32
      %cond3A_705 = arith.constant 0 : i32
      %cond3A_706 = arith.cmpi ne, %convert_element_type3A_704, %cond3A_705 : i32
      scf.if %cond3A_706 {
        %add3A_715 = arith.constant 4 : i32
        %add3A_716 = arith.addi %add3A_593, %add3A_715 : i32
        %shift_right_arithmetic3A_717 = arith.constant 4 : i32
        %shift_right_arithmetic3A_718 = arith.shrsi %add3A_716, %shift_right_arithmetic3A_717 : i32
        %get3A_719 = arith.index_cast %shift_right_arithmetic3A_718 : i32 to index
        %get3A_720 = arith.constant 0 : index
        %get3A_721 = tpu.vector_load %arg8[%get3A_719, %get3A_720] {strides = array<i32>} : memref<32x16xi32, #tpu.memory_space<vmem>>, vector<16xi32>,
        %and3A_722 = arith.constant 15 : i32
        %and3A_723 = arith.andi %add3A_716, %and3A_722 : i32
        %eq3A_724 = vector.broadcast %and3A_723 : i32 to vector<16xi32>
        %eq3A_725 = arith.cmpi eq, %iota3A, %eq3A_724 : vector<16xi32>
        %select_n3A_726 = arith.select %eq3A_725, %get3A_721, %broadcast_in_dim3A_3 : vector<16xi1>, vector<16xi32>
        %reduce_sum3A_727 = arith.constant true
        %reduce_sum3A_728 = vector.broadcast %reduce_sum3A_727 : i1 to vector<16xi1>
        %reduce_sum3A_729 = tpu.scan <sum>, %select_n3A_726 masked %reduce_sum3A_728 : vector<16xi32>, vector<16xi1> -> vector<16xi32>
        %reduce_sum3A_730 = vector.extract %reduce_sum3A_729[15] : i32 from vector<16xi32>
        %shift_right_arithmetic3A_731 = arith.constant 7 : i32
        %shift_right_arithmetic3A_732 = arith.shrsi %reduce_sum3A_730, %shift_right_arithmetic3A_731 : i32
        %mul3A_733 = arith.constant 128 : i32
        %mul3A_734 = arith.muli %shift_right_arithmetic3A_732, %mul3A_733 : i32
        %multiple_of3A_735 = tpu.assume_multiple %mul3A_734, 128 : i32
        %dma_start3A_736 = arith.constant 3 : i32
        %dma_start3A_737 = arith.constant 0 : i32
        %dma_start3A_738 = arith.constant 0 : i32
        %dma_start3A_739 = tpu.memref_slice %arg10[%dma_start3A_736, %dma_start3A_737, %dma_start3A_738] : memref<4x32x128xf32, #tpu.memory_space<vmem>> -> memref<1x32x128xf32, #tpu.memory_space<vmem>>
        %dma_start3A_740 = tpu.memref_squeeze %dma_start3A_739 : memref<1x32x128xf32, #tpu.memory_space<vmem>> -> memref<32x128xf32, #tpu.memory_space<vmem>>
        %dma_start3A_741 = arith.constant 0 : i32
        %dma_start3A_742 = tpu.memref_slice %arg4[%dma_start3A_741, %multiple_of3A_735] : memref<32x1000000xf32, #tpu.memory_space<hbm>> -> memref<32x128xf32, #tpu.memory_space<hbm>>
        %dma_start3A_743 = arith.constant 0 : i32
        %dma_start3A_744 = arith.constant 0 : i32
        %dma_start3A_745 = tpu.memref_slice %arg10[%dma_start3A_736, %dma_start3A_743, %dma_start3A_744] : memref<4x32x128xf32, #tpu.memory_space<vmem>> -> memref<1x32x128xf32, #tpu.memory_space<vmem>>
        %dma_start3A_746 = tpu.memref_squeeze %dma_start3A_745 : memref<1x32x128xf32, #tpu.memory_space<vmem>> -> memref<32x128xf32, #tpu.memory_space<vmem>>
        %dma_start3A_747 = arith.constant 0 : i32
        %dma_start3A_748 = tpu.memref_slice %arg4[%dma_start3A_747, %multiple_of3A_735] : memref<32x1000000xf32, #tpu.memory_space<hbm>> -> memref<32x128xf32, #tpu.memory_space<hbm>>
        tpu.enqueue_dma source(%dma_start3A_748 : memref<32x128xf32, #tpu.memory_space<hbm>>) target(%dma_start3A_746 : memref<32x128xf32, #tpu.memory_space<vmem>>) target_semaphore(%arg17 : memref<!tpu.dma_semaphore, #tpu.memory_space<semaphore_mem>>)
        %add3A_749 = arith.constant 4 : i32
        %add3A_750 = arith.addi %add3A_593, %add3A_749 : i32
        %shift_right_arithmetic3A_751 = arith.constant 4 : i32
        %shift_right_arithmetic3A_752 = arith.shrsi %add3A_750, %shift_right_arithmetic3A_751 : i32
        %get3A_753 = arith.index_cast %shift_right_arithmetic3A_752 : i32 to index
        %get3A_754 = arith.constant 0 : index
        %get3A_755 = tpu.vector_load %arg9[%get3A_753, %get3A_754] {strides = array<i32>} : memref<32x16xi32, #tpu.memory_space<vmem>>, vector<16xi32>,
        %and3A_756 = arith.constant 15 : i32
        %and3A_757 = arith.andi %add3A_750, %and3A_756 : i32
        %eq3A_758 = vector.broadcast %and3A_757 : i32 to vector<16xi32>
        %eq3A_759 = arith.cmpi eq, %iota3A, %eq3A_758 : vector<16xi32>
        %select_n3A_760 = arith.select %eq3A_759, %get3A_755, %broadcast_in_dim3A_3 : vector<16xi1>, vector<16xi32>
        %reduce_sum3A_761 = arith.constant true
        %reduce_sum3A_762 = vector.broadcast %reduce_sum3A_761 : i1 to vector<16xi1>
        %reduce_sum3A_763 = tpu.scan <sum>, %select_n3A_760 masked %reduce_sum3A_762 : vector<16xi32>, vector<16xi1> -> vector<16xi32>
        %reduce_sum3A_764 = vector.extract %reduce_sum3A_763[15] : i32 from vector<16xi32>
        %shift_right_arithmetic3A_765 = arith.constant 7 : i32
        %shift_right_arithmetic3A_766 = arith.shrsi %reduce_sum3A_764, %shift_right_arithmetic3A_765 : i32
        %mul3A_767 = arith.constant 128 : i32
        %mul3A_768 = arith.muli %shift_right_arithmetic3A_766, %mul3A_767 : i32
        %multiple_of3A_769 = tpu.assume_multiple %mul3A_768, 128 : i32
        %dma_start3A_770 = arith.constant 3 : i32
        %dma_start3A_771 = arith.constant 0 : i32
        %dma_start3A_772 = arith.constant 0 : i32
        %dma_start3A_773 = tpu.memref_slice %arg11[%dma_start3A_770, %dma_start3A_771, %dma_start3A_772] : memref<4x32x128xf32, #tpu.memory_space<vmem>> -> memref<1x32x128xf32, #tpu.memory_space<vmem>>
        %dma_start3A_774 = tpu.memref_squeeze %dma_start3A_773 : memref<1x32x128xf32, #tpu.memory_space<vmem>> -> memref<32x128xf32, #tpu.memory_space<vmem>>
        %dma_start3A_775 = arith.constant 0 : i32
        %dma_start3A_776 = tpu.memref_slice %arg5[%dma_start3A_775, %multiple_of3A_769] : memref<32x1000000xf32, #tpu.memory_space<hbm>> -> memref<32x128xf32, #tpu.memory_space<hbm>>
        %dma_start3A_777 = arith.constant 0 : i32
        %dma_start3A_778 = arith.constant 0 : i32
        %dma_start3A_779 = tpu.memref_slice %arg11[%dma_start3A_770, %dma_start3A_777, %dma_start3A_778] : memref<4x32x128xf32, #tpu.memory_space<vmem>> -> memref<1x32x128xf32, #tpu.memory_space<vmem>>
        %dma_start3A_780 = tpu.memref_squeeze %dma_start3A_779 : memref<1x32x128xf32, #tpu.memory_space<vmem>> -> memref<32x128xf32, #tpu.memory_space<vmem>>
        %dma_start3A_781 = arith.constant 0 : i32
        %dma_start3A_782 = tpu.memref_slice %arg5[%dma_start3A_781, %multiple_of3A_769] : memref<32x1000000xf32, #tpu.memory_space<hbm>> -> memref<32x128xf32, #tpu.memory_space<hbm>>
        tpu.enqueue_dma source(%dma_start3A_782 : memref<32x128xf32, #tpu.memory_space<hbm>>) target(%dma_start3A_780 : memref<32x128xf32, #tpu.memory_space<vmem>>) target_semaphore(%arg21 : memref<!tpu.dma_semaphore, #tpu.memory_space<semaphore_mem>>)
      } else {
      }
      %and3A_707 = arith.constant 31 : i32
      %and3A_708 = arith.andi %scan3A_243, %and3A_707 : i32
      %eq3A_709 = arith.constant 31 : i32
      %eq3A_710 = arith.cmpi eq, %and3A_708, %eq3A_709 : i32
      %convert_element_type3A_711 = arith.extui %eq3A_710 : i1 to i32
      %cond3A_712 = arith.constant 0 : i32
      %cond3A_713 = arith.cmpi ne, %convert_element_type3A_711, %cond3A_712 : i32
      scf.if %cond3A_713 {
        %shift_right_arithmetic3A_715 = arith.constant 5 : i32
        %shift_right_arithmetic3A_716 = arith.shrsi %scan3A_243, %shift_right_arithmetic3A_715 : i32
        %mul3A_717 = arith.constant 128 : i32
        %mul3A_718 = arith.muli %shift_right_arithmetic3A_716, %mul3A_717 : i32
        %add3A_719 = arith.addi %mul3A_2, %mul3A_718 : i32
        "tpu.region"() ({
          %run_scoped3A = tpu.sem_alloc : memref<!tpu.dma_semaphore, #tpu.memory_space<semaphore_mem>>
          %dma_start3A_721 = arith.constant 0 : i32
          %dma_start3A_722 = tpu.memref_slice %arg6[%add3A_719, %dma_start3A_721] : memref<16384x32xf32, #tpu.memory_space<hbm>> -> memref<128x32xf32, #tpu.memory_space<hbm>>
          %dma_start3A_723 = arith.constant 0 : i32
          %dma_start3A_724 = tpu.memref_slice %arg6[%add3A_719, %dma_start3A_723] : memref<16384x32xf32, #tpu.memory_space<hbm>> -> memref<128x32xf32, #tpu.memory_space<hbm>>
          tpu.enqueue_dma source(%arg12 : memref<128x32xf32, #tpu.memory_space<vmem>>) target(%dma_start3A_724 : memref<128x32xf32, #tpu.memory_space<hbm>>) target_semaphore(%run_scoped3A : memref<!tpu.dma_semaphore, #tpu.memory_space<semaphore_mem>>)
          %dma_wait3A_725 = arith.constant 0 : i32
          %dma_wait3A_726 = tpu.memref_slice %arg6[%add3A_719, %dma_wait3A_725] : memref<16384x32xf32, #tpu.memory_space<hbm>> -> memref<128x32xf32, #tpu.memory_space<hbm>>
          %dma_wait3A_727 = arith.constant 0 : i32
          %dma_wait3A_728 = tpu.memref_slice %arg6[%add3A_719, %dma_wait3A_727] : memref<16384x32xf32, #tpu.memory_space<hbm>> -> memref<128x32xf32, #tpu.memory_space<hbm>>
          tpu.wait_dma2 semaphore(%run_scoped3A : memref<!tpu.dma_semaphore, #tpu.memory_space<semaphore_mem>>) src(%arg12 : memref<128x32xf32, #tpu.memory_space<vmem>>) dst(%dma_wait3A_728 : memref<128x32xf32, #tpu.memory_space<hbm>>)
          tpu.yield
        }) : () -> ()
        %add3A_720 = arith.addi %mul3A_2, %mul3A_718 : i32
        "tpu.region"() ({
          %run_scoped3A = tpu.sem_alloc : memref<!tpu.dma_semaphore, #tpu.memory_space<semaphore_mem>>
          %dma_start3A_721 = arith.constant 0 : i32
          %dma_start3A_722 = tpu.memref_slice %arg7[%add3A_720, %dma_start3A_721] : memref<16384x32xf32, #tpu.memory_space<hbm>> -> memref<128x32xf32, #tpu.memory_space<hbm>>
          %dma_start3A_723 = arith.constant 0 : i32
          %dma_start3A_724 = tpu.memref_slice %arg7[%add3A_720, %dma_start3A_723] : memref<16384x32xf32, #tpu.memory_space<hbm>> -> memref<128x32xf32, #tpu.memory_space<hbm>>
          tpu.enqueue_dma source(%arg13 : memref<128x32xf32, #tpu.memory_space<vmem>>) target(%dma_start3A_724 : memref<128x32xf32, #tpu.memory_space<hbm>>) target_semaphore(%run_scoped3A : memref<!tpu.dma_semaphore, #tpu.memory_space<semaphore_mem>>)
          %dma_wait3A_725 = arith.constant 0 : i32
          %dma_wait3A_726 = tpu.memref_slice %arg7[%add3A_720, %dma_wait3A_725] : memref<16384x32xf32, #tpu.memory_space<hbm>> -> memref<128x32xf32, #tpu.memory_space<hbm>>
          %dma_wait3A_727 = arith.constant 0 : i32
          %dma_wait3A_728 = tpu.memref_slice %arg7[%add3A_720, %dma_wait3A_727] : memref<16384x32xf32, #tpu.memory_space<hbm>> -> memref<128x32xf32, #tpu.memory_space<hbm>>
          tpu.wait_dma2 semaphore(%run_scoped3A : memref<!tpu.dma_semaphore, #tpu.memory_space<semaphore_mem>>) src(%arg13 : memref<128x32xf32, #tpu.memory_space<vmem>>) dst(%dma_wait3A_728 : memref<128x32xf32, #tpu.memory_space<hbm>>)
          tpu.yield
        }) : () -> ()
      } else {
      }
      %scan3A_714 = arith.constant 0 : i32
      scf.yield %scan3A_714 : i32
    }
    %scan3A_242 = arith.constant 128 : i32
    return
  }
}

module attributes {stable_mosaic.version = 14 : i64} {
  func.func @_mlp_body(%arg0: i32, %arg1: memref<2048x32xf32, #tpu.memory_space<vmem>>, %arg2: memref<2048x32xf32, #tpu.memory_space<vmem>>, %arg3: memref<32x64xf32, #tpu.memory_space<vmem>>, %arg4: memref<32x64xf32, #tpu.memory_space<vmem>>, %arg5: memref<1x64xf32, #tpu.memory_space<vmem>>, %arg6: memref<64x1xf32, #tpu.memory_space<vmem>>, %arg7: memref<1x1xf32, #tpu.memory_space<vmem>>, %arg8: memref<2048x1xf32, #tpu.memory_space<vmem>>) attributes {dimension_semantics = [#tpu.dimension_semantics<arbitrary>], iteration_bounds = array<i64: 8>, scalar_prefetch = 0 : i64, scratch_operands = 0 : i64, tpu.core_type = #tpu.core_type<tc>, window_params = [{transform_indices = @transform_0, window_bounds = array<i64: 2048, 32>}, {transform_indices = @transform_1, window_bounds = array<i64: 2048, 32>}, {pipeline_mode = #tpu.pipeline_mode<synchronous>, transform_indices = @transform_2, window_bounds = array<i64: 32, 64>}, {pipeline_mode = #tpu.pipeline_mode<synchronous>, transform_indices = @transform_3, window_bounds = array<i64: 32, 64>}, {pipeline_mode = #tpu.pipeline_mode<synchronous>, transform_indices = @transform_4, window_bounds = array<i64: 1, 64>}, {pipeline_mode = #tpu.pipeline_mode<synchronous>, transform_indices = @transform_5, window_bounds = array<i64: 64, 1>}, {pipeline_mode = #tpu.pipeline_mode<synchronous>, transform_indices = @transform_6, window_bounds = array<i64: 1, 1>}, {transform_indices = @transform_7, window_bounds = array<i64: 2048, 1>}]} {
    %get3A = arith.constant 0 : index
    %get3A_0 = arith.constant 0 : index
    %get3A_1 = vector.load %arg1[%get3A, %get3A_0] : memref<2048x32xf32, #tpu.memory_space<vmem>>, vector<2048x32xf32>
    %get3A_2 = arith.constant 0 : index
    %get3A_3 = arith.constant 0 : index
    %get3A_4 = vector.load %arg3[%get3A_2, %get3A_3] : memref<32x64xf32, #tpu.memory_space<vmem>>, vector<32x64xf32>
    %dot_general3A = arith.constant dense<0.000000e+00> : vector<2048x64xf32>
    %dot_general3A_5 = tpu.matmul %get3A_1, %get3A_4, %dot_general3A {dimension_numbers = #tpu.dot_dimension_numbers<[1], [0], [0], [1], [0, 0, 1, 1], [], []>, transpose_lhs_hint = false} : vector<2048x32xf32>, vector<32x64xf32>, vector<2048x64xf32> -> vector<2048x64xf32>
    %get3A_6 = arith.constant 0 : index
    %get3A_7 = arith.constant 0 : index
    %get3A_8 = vector.load %arg2[%get3A_6, %get3A_7] : memref<2048x32xf32, #tpu.memory_space<vmem>>, vector<2048x32xf32>
    %get3A_9 = arith.constant 0 : index
    %get3A_10 = arith.constant 0 : index
    %get3A_11 = vector.load %arg4[%get3A_9, %get3A_10] : memref<32x64xf32, #tpu.memory_space<vmem>>, vector<32x64xf32>
    %dot_general3A_12 = arith.constant dense<0.000000e+00> : vector<2048x64xf32>
    %dot_general3A_13 = tpu.matmul %get3A_8, %get3A_11, %dot_general3A_12 {dimension_numbers = #tpu.dot_dimension_numbers<[1], [0], [0], [1], [0, 0, 1, 1], [], []>, transpose_lhs_hint = false} : vector<2048x32xf32>, vector<32x64xf32>, vector<2048x64xf32> -> vector<2048x64xf32>
    %add3A = arith.addf %dot_general3A_5, %dot_general3A_13 : vector<2048x64xf32>
    %get3A_14 = arith.constant 0 : index
    %get3A_15 = arith.constant 0 : index
    %get3A_16 = vector.load %arg5[%get3A_14, %get3A_15] : memref<1x64xf32, #tpu.memory_space<vmem>>, vector<1x64xf32>
    %add3A_17 = vector.broadcast %get3A_16 : vector<1x64xf32> to vector<2048x64xf32>
    %add3A_18 = arith.addf %add3A, %add3A_17 : vector<2048x64xf32>
    %max3A = arith.constant 0.000000e+00 : f32
    %max3A_19 = vector.broadcast %max3A : f32 to vector<2048x64xf32>
    %max3A_20 = arith.maximumf %add3A_18, %max3A_19 : vector<2048x64xf32>
    %get3A_21 = arith.constant 0 : index
    %get3A_22 = arith.constant 0 : index
    %get3A_23 = vector.load %arg6[%get3A_21, %get3A_22] : memref<64x1xf32, #tpu.memory_space<vmem>>, vector<64x1xf32>
    %dot_general3A_24 = arith.constant dense<0.000000e+00> : vector<2048x1xf32>
    %dot_general3A_25 = tpu.matmul %max3A_20, %get3A_23, %dot_general3A_24 {dimension_numbers = #tpu.dot_dimension_numbers<[1], [0], [0], [1], [0, 0, 1, 1], [], []>, transpose_lhs_hint = false} : vector<2048x64xf32>, vector<64x1xf32>, vector<2048x1xf32> -> vector<2048x1xf32>
    %get3A_26 = arith.constant 0 : index
    %get3A_27 = arith.constant 0 : index
    %get3A_28 = vector.load %arg7[%get3A_26, %get3A_27] : memref<1x1xf32, #tpu.memory_space<vmem>>, vector<1x1xf32>
    %add3A_29 = vector.broadcast %get3A_28 : vector<1x1xf32> to vector<2048x1xf32>
    %add3A_30 = arith.addf %dot_general3A_25, %add3A_29 : vector<2048x1xf32>
    %swap3A = arith.constant 0 : index
    %swap3A_31 = arith.constant 0 : index
    %swap3A_32 = vector.load %arg8[%swap3A, %swap3A_31] : memref<2048x1xf32, #tpu.memory_space<vmem>>, vector<2048x1xf32>
    tpu.vector_store %arg8[%swap3A, %swap3A_31], %add3A_30 {strides = array<i32>} : memref<2048x1xf32, #tpu.memory_space<vmem>>, vector<2048x1xf32>,
    return
  }
  func.func @transform_0(%arg0: i32) -> (i32, i32) {
    %c0_i32 = arith.constant 0 : i32
    %c0_i32_0 = arith.constant 0 : i32
    return %arg0, %c0_i32 : i32, i32
  }
  func.func @transform_1(%arg0: i32) -> (i32, i32) {
    %c0_i32 = arith.constant 0 : i32
    %c0_i32_0 = arith.constant 0 : i32
    return %arg0, %c0_i32 : i32, i32
  }
  func.func @transform_2(%arg0: i32) -> (i32, i32) {
    %c0_i32 = arith.constant 0 : i32
    %c0_i32_0 = arith.constant 0 : i32
    %c0_i32_1 = arith.constant 0 : i32
    return %c0_i32, %c0_i32_0 : i32, i32
  }
  func.func @transform_3(%arg0: i32) -> (i32, i32) {
    %c0_i32 = arith.constant 0 : i32
    %c0_i32_0 = arith.constant 0 : i32
    %c0_i32_1 = arith.constant 0 : i32
    return %c0_i32, %c0_i32_0 : i32, i32
  }
  func.func @transform_4(%arg0: i32) -> (i32, i32) {
    %c0_i32 = arith.constant 0 : i32
    %c0_i32_0 = arith.constant 0 : i32
    %c0_i32_1 = arith.constant 0 : i32
    return %c0_i32, %c0_i32_0 : i32, i32
  }
  func.func @transform_5(%arg0: i32) -> (i32, i32) {
    %c0_i32 = arith.constant 0 : i32
    %c0_i32_0 = arith.constant 0 : i32
    %c0_i32_1 = arith.constant 0 : i32
    return %c0_i32, %c0_i32_0 : i32, i32
  }
  func.func @transform_6(%arg0: i32) -> (i32, i32) {
    %c0_i32 = arith.constant 0 : i32
    %c0_i32_0 = arith.constant 0 : i32
    %c0_i32_1 = arith.constant 0 : i32
    return %c0_i32, %c0_i32_0 : i32, i32
  }
  func.func @transform_7(%arg0: i32) -> (i32, i32) {
    %c0_i32 = arith.constant 0 : i32
    %c0_i32_0 = arith.constant 0 : i32
    return %arg0, %c0_i32 : i32, i32
  }
}

</mosaic_0001>

<sc_bundles>
// kernel: kernel.4.cloned.1.call-start
scs
__scs_entry_jumppad:
0x0: {  	(pc) =	sbr.rel $0x88, $3  }
0x1: {  	(tag) =	ssettag $0x0;
	lr =	simm.s32 $0x1  }
0x2: {  	[smem:$0x3F99] =	sst lr;
	_ =	strace $0xD0000000  }
0x3: {  	_ = 	snop  }
0x4: {  	_ = 	snop  }
0x5: {  	_ = 	snop  }
0x6: {  	_ = 	snop  }
0x7: {  	_ = 	snop  }
__scs_overlays_trampoline_lowered:
0x8: {  	[smem:$0x3FA8] =	sst s0  }
0x9: {  	[smem:$0x3FA9] =	sst s1  }
0xa: {  	[smem:$0x3FAA] =	sst s2  }
0xb: {  	[smem:$0x3FAB] =	sst s3  }
0xc: {  	[smem:$0x3FAC] =	sst s4  }
0xd: {  	[smem:$0x3FAD] =	sst s5  }
0xe: {  	[smem:$0x3FAE] =	sst s6  }
0xf: {  	[smem:$0x3FAF] =	sst s7  }
0x10: {  	[smem:$0x3FB0] =	sst s8  }
0x11: {  	[smem:$0x3FB1] =	sst s9;
	s0 =	simm.s32 @!p0 $0x0  }
0x12: {  	s1 =	sld [smem:$0x3F97];
	s0 =	simm.s32 @p0 $0x1  }
0x13: {  	[smem:$0x3FB2] =	sst s0;
	s0 =	simm.s32 @!p1 $0x0  }
0x14: {  	s2 =	sld [smem:$0x3F96];
	s0 =	simm.s32 @p1 $0x1  }
0x15: {  	[smem:$0x3FB3] =	sst s0;
	s0 =	simm.s32 @!p2 $0x0  }
0x16: {  	s3 =	sld [smem:$0x3FDB];
	s0 =	simm.s32 @p2 $0x1  }
0x17: {  	s4 =	simm.s32 $0x1BF5;
	[smem:$0x3FB5] =	sst s0  }
0x18: {  	s0 =	sld [smem:$0x3F98];
	_ =	swait.ge [sflag:s4], $0x0  }
0x19: {  	s7 =	sld [smem:$0x3F99]  }
0x1a: {  	s8 =	sadd.s32 $0xFFFFE003, lr  }
0x1b: {  	s9 =	sadd.s32 $0xFFFFFEF7, lr;
	s5 =	simm.s32 $0xFFFFFFFF;
	p2 =	slt.u32 s8, $0xFFFFF086  }
0x1c: {  	p1 =	slt.u32 s9, $0xF7A;
	s5 =	simm.s32 @!p2 $0x0  }
0x1d: {  	s5 =	simm.s32 @p1 $0x1;
	p0 =	seq.s32 s7, s2  }
0x1e: {  	s7 =	smul.u32 @!p0 $0xF7A, s2;
	p2 =	seq.s32 @!p0 s5, $0x0  }
0x1f: {  	s9 =	smul.u32 $0xF7A, s1;
	s8 =	simm.s32 @!p0 $0x1BF5;
	p2 =	por !p2, p0  }
0x20: {  	[sflag:s8] =	ssyncset.s32 @!p0 $0xFFFFF086;
	s6 =	sadd.s32 @!p0 s3, s7;
	s7 =	simm.s32 @!p0 $0x108  }
0x21: {  	s3 =	sadd.s32 s3, s9;
	s6 =	sadd.s32 @!p0 $0x88, s6;
	s7 =	simm.s32 @p2 $0x1082  }
0x22: {  	[simem:s7], [sflag:s8] =	dma.local @!p0 [hbm:s6], $0xF7A  }
0x23: {  	s9 =	sor.u32 $0xD0000000, s2;
	s6 =	simm.s32 $0x108;
	_ =	swait.ge @!p0 [sflag:s8], $0x0  }
0x24: {  	s3 =	sadd.s32 $0x88, s3;
	s6 =	simm.s32 @!p1 $0x1082;
	[sflag:s4] =	ssyncset.s32 $0xFFFFF086  }
0x25: {  	[simem:s6], [sflag:s4] =	dma.local [hbm:s3], $0xF7A  }
0x26: {  	[smem:$0x3F99] =	sst s1;
	(tag) =	ssettag s2;
	_ =	strace s9  }
0x27: {  	s1 =	sld [smem:$0x3FA9]  }
0x28: {  	s2 =	sld [smem:$0x3FAA]  }
0x29: {  	s4 =	sld [smem:$0x3FAC]  }
0x2a: {  	p0 =	seq.s32 s5, $0x0;
	s5 =	sld [smem:$0x3FAD]  }
0x2b: {  	s6 =	sld [smem:$0x3FAE]  }
0x2c: {  	s7 =	sld [smem:$0x3FAF]  }
0x2d: {  	s3 =	simm.s32 $0x108;
	s8 =	sld [smem:$0x3FB0]  }
0x2e: {  	s3 =	simm.s32 @!p0 $0x1082;
	s9 =	sld [smem:$0x3FB1]  }
0x2f: {  	lr =	sadd.s32 s0, s3;
	s0 =	sld [smem:$0x3FA8]  }
0x30: {  	s3 =	sld [smem:$0x3FAB]  }
0x31: {  	[smem:$0x3FB4] =	sst s10  }
0x32: {  	s10 =	sld [smem:$0x3FB2];
	_ =	sdelay $0x3  }
0x33: {  	p0 =	seq.s32 s10, $0x1;
	s10 =	sld [smem:$0x3FB4];
	_ =	sdelay $0x3  }
0x34: {  	[smem:$0x3FB4] =	sst s10  }
0x35: {  	s10 =	sld [smem:$0x3FB3];
	_ =	sdelay $0x3  }
0x36: {  	p1 =	seq.s32 s10, $0x1;
	s10 =	sld [smem:$0x3FB4];
	_ =	sdelay $0x3  }
0x37: {  	[smem:$0x3FB4] =	sst s10  }
0x38: {  	s10 =	sld [smem:$0x3FB5]  }
0x39: {  	_ = 	snop;
	(pc) =	sbr.ind lr, $3  }
0x3a: {  	_ = 	snop  }
0x3b: {  	_ = 	snop  }
0x3c: {  	p2 =	seq.s32 s10, $0x1;
	s10 =	sld [smem:$0x3FB4]  }
0x3d: {  	_ =	shalt  }
0x3e: {  	_ =	shalt  }
0x3f: {  	_ =	shalt  }
0x40: {  	_ =	shalt  }
0x41: {  	_ =	shalt  }
0x42: {  	_ =	shalt  }
0x43: {  	_ =	shalt  }
0x44: {  	_ =	shalt  }
0x45: {  	_ =	shalt  }
0x46: {  	_ =	shalt  }
0x47: {  	_ =	shalt  }
0x48: {  	_ =	shalt  }
0x49: {  	_ =	shalt  }
0x4a: {  	_ =	shalt  }
0x4b: {  	_ =	shalt  }
0x4c: {  	_ =	shalt  }
0x4d: {  	_ =	shalt  }
0x4e: {  	_ =	shalt  }
0x4f: {  	_ =	shalt  }
0x50: {  	_ =	shalt  }
0x51: {  	_ =	shalt  }
0x52: {  	_ =	shalt  }
0x53: {  	_ =	shalt  }
0x54: {  	_ =	shalt  }
0x55: {  	_ =	shalt  }
0x56: {  	_ =	shalt  }
0x57: {  	_ =	shalt  }
0x58: {  	_ =	shalt  }
0x59: {  	_ =	shalt  }
0x5a: {  	_ =	shalt  }
0x5b: {  	_ =	shalt  }
0x5c: {  	_ =	shalt  }
0x5d: {  	_ =	shalt  }
0x5e: {  	_ =	shalt  }
0x5f: {  	_ =	shalt  }
0x60: {  	_ =	shalt  }
0x61: {  	_ =	shalt  }
0x62: {  	_ =	shalt  }
0x63: {  	_ =	shalt  }
0x64: {  	_ =	shalt  }
0x65: {  	_ =	shalt  }
0x66: {  	_ =	shalt  }
0x67: {  	_ =	shalt  }
0x68: {  	_ =	shalt  }
0x69: {  	_ =	shalt  }
0x6a: {  	_ =	shalt  }
0x6b: {  	_ =	shalt  }
0x6c: {  	_ =	shalt  }
0x6d: {  	_ =	shalt  }
0x6e: {  	_ =	shalt  }
0x6f: {  	_ =	shalt  }
0x70: {  	_ =	shalt  }
0x71: {  	_ =	shalt  }
0x72: {  	_ =	shalt  }
0x73: {  	_ =	shalt  }
0x74: {  	_ =	shalt  }
0x75: {  	_ =	shalt  }
0x76: {  	_ =	shalt  }
0x77: {  	_ =	shalt  }
0x78: {  	_ =	shalt  }
0x79: {  	_ =	shalt  }
0x7a: {  	_ =	shalt  }
0x7b: {  	_ =	shalt  }
0x7c: {  	_ =	shalt  }
0x7d: {  	_ =	shalt  }
0x7e: {  	_ =	shalt  }
0x7f: {  	_ =	shalt  }
0x80: {  	_ =	shalt  }
0x81: {  	_ =	shalt  }
0x82: {  	_ =	shalt  }
0x83: {  	_ =	shalt  }
0x84: {  	_ =	shalt  }
0x85: {  	_ =	shalt  }
0x86: {  	_ =	shalt  }
0x87: {  	_ =	shalt  }
.Lfunc_end0:
.L_simem_size_0:
called_computation_lowered:
.L_overlay_start_0:
0x88: {  	s2 =	sld [smem:$0x3FD9]  }
0x89: {  	s3 =	sld [smem:$0x3FFE];
	_ =	sdelay $0x1  }
0x8a: {  	s1 =	srdreg.scid  }
0x8b: {  	s0 =	sand.u32 $0x1, s1  }
0x8c: {  	s17 =	sshll.u32 s0, $0xA;
	s2 =	sadd.s32 s3, s2  }
0x8d: {  	s2 =	sadd.s32 s2, s17  }
0x8e: {  	[smem:$0x3FC0] =	sst s2  }
0x8f: {  	_ = 	snop  }
0x90: {  	s2 =	sld [smem:$0x3FC7]  }
0x91: {  	s18 =	sld [smem:$0x3FC6];
	(tm) =	ssettm $0x1  }
0x92: {  	s4 =	sld [smem:$0x3FFB];
	_ =	sdelay $0x3  }
0x93: {  	_ =	strace s4  }
0x94: {  	s4 =	sld [smem:$0x3FFC];
	_ =	sdelay $0x3  }
0x95: {  	_ =	strace s4  }
0x96: {  	s4 =	sld [smem:$0x3FFD];
	_ =	sdelay $0x3  }
0x97: {  	_ =	strace s4  }
0x98: {  	_ =	strace $0x8FFFFFFF  }
0x99: {  	s19 =	sld [smem:$0x3FDB];
	_ =	sdelay $0x1  }
0x9a: {  	s5 =	simm.s32 $_scs_section_size  }
0x9b: {  	s6 =	simm.s32 $_size__tile_overlayer_lowered;
	s7 =	simm.s32 $_tile_overlayer_lowered  }
0x9c: {  	s22 =	simm.s32 $0x1BFF;
	s21 =	sshll.u32 s7, $0x1;
	s4 =	sadd.s32 s5, s19  }
0x9d: {  	s8 =	simm.s32 $0x0;
	s20 =	sshll.u32 s6, $0x1;
	s6 =	sadd.s32 s21, s4  }
0x9e: {  	[timem:s8], [sflag:s22] =	dma.local [hbm:s6], s20  }
0x9f: {  	_ =	swait.ge [sflag:s22], s20  }
0xa0: {  	s5 =	ssub.s32 $0x0, s20;
	[sflag:s22] =	ssyncset.done $0x0  }
0xa1: {  	[sflag:s22] =	ssyncadd.s32 s5;
	_ =	sdelay $0x1  }
0xa2: {  	s23 =	simm.s32 $0x1B8B  }
0xa3: {  	_ =	swait.ge [sflag:s23], $0x1  }
0xa4: {  	[sflag:s23] =	ssyncset.done $0x0  }
0xa5: {  	s25 =	simm.s32 $0x1B8E;
	s24 =	sld [smem:$0x3FFE];
	[sflag:s23] =	ssyncadd.s32 $0xFFFFFFFF  }
0xa6: {  	s26 =	simm.s32 $execute0_lowered;
	[smem:$0x3FD2] =	sst s25  }
0xa7: {  	s6 =	sshll.u32 s26, $0x1;
	_ =	strace $0x80000046;
	[dreg:$0x1] =	wrdreg $0xFFFFFFFF  }
0xa8: {  	s28 =	simm.s32 $_size_execute0_lowered;
	s4 =	sadd.s32 s4, s6;
	[dreg:$0x0] =	wrdreg $0x0  }
0xa9: {  	s6 =	sshll.u32 s28, $0x1;
	[dreg:$0x2] =	wrdreg s4  }
0xaa: {  	[dreg:$0x3] =	wrdreg s6  }
0xab: {  	[dreg:$0x4] =	wrdreg $0xC0  }
0xac: {  	_ =	task [dreg:s8], $0x5FFFF  }
0xad: {  	[dreg:$0x1] =	wrdreg $0xFFFFFFFF  }
0xae: {  	[dreg:$0x0] =	wrdreg $0x60  }
0xaf: {  	[dreg:$0x2] =	wrdreg s24  }
0xb0: {  	[dreg:$0x3] =	wrdreg s2  }
0xb1: {  	[dreg:$0x4] =	wrdreg s18  }
0xb2: {  	[dreg:$0x5] =	wrdreg $0x9  }
0xb3: {  	_ =	task.clear_ibuf [dreg:s8], $0x6FFFF;
	_ =	strace $0x90000046  }
0xb4: {  	s29 =	simm.s32 $0x9;
	_ =	strace $0x80000048  }
0xb5: {  	_ =	swait.ge [sflag:s29], $0x1  }
0xb6: {  	[sflag:s29] =	ssyncadd.s32 $0xFFFFFFFF  }
0xb7: {  	_ =	strace $0x90000048  }
0xb8: {  	_ =	sfence  }
0xb9: {  	s30 =	sld [smem:$0x0];
	_ =	sdelay $0x2  }
0xba: {  	s31 =	sshll.u32 s1, $0xD;
	s1 =	sshrl.u32 s1, $0x2  }
0xbb: {  	s3 =	sand.u32 $0x4000, s31;
	s1 =	sadd.s32 s1, s30  }
0xbc: {  	s0 =	sor.u32 s3, s0;
	s1 =	sshll.u32 s1, $0x11  }
0xbd: {  	s0 =	sor.u32 s1, s0  }
0xbe: {  	s0 =	sadd.s32 $0x8F2B, s0  }
0xbf: {  	[sflag:s0] =	ssyncadd.remote.s32 $0x1  }
0xc0: {  	_ =	sfence.sel $0xFFFF  }
0xc1: {  	[dreg:$0x0] =	wrdreg $0xFFFFFFFF;
	(pc) =	sbr.abs _section_cstart, $3  }
0xc2: {  	[dreg:$0x1] =	wrdreg $0xFFFFFFFF  }
0xc3: {  	_ =	task.clear_ibuf [dreg:s8], $0x2FFFF;
	_ =	strace $0x9FFFFFFF  }
0xc4: {  	(tm) =	ssettm $0x7FFFFFFF  }
0xc5: {  	_ =	shalt  }
tec
execute0_lowered:
.L_overlay_start_1:
0x0: {  	(tag) =	ssettag $0x1  }
0x1: {  	s0 =	rddreg [dreg:$0x0]  }
0x2: {  	s2 =	rddreg [dreg:$0x1]  }
0x3: {  	s3 =	rddreg [dreg:$0x2]  }
0x4: {  	s1 =	srdreg.scid;
	s4 =	stileid.u32;
	s6 =	simm.s32 $0x0  }
0x5: {  	s11 =	simm.s32 $0x9;
	s15 =	simm.s32 $0x2000;
	s16 =	simm.s32 $0x6000  }
0x6: {  	s17 =	simm.s32 $0x3000;
	s18 =	simm.s32 $0x7000;
	s19 =	simm.s32 $0x4000  }
0x7: {  	s20 =	simm.s32 $0x8000;
	s28 =	simm.s32 $0x2;
	s29 =	simm.s32 $0x6  }
0x8: {  	s30 =	simm.s32 $0x3;
	s31 =	simm.s32 $0x7;
	s1 =	sand.u32 $0x1, s1  }
0x9: {  	s5 =	sshll.u32 s4, $0x1;
	[smem:$0x7FF] =	sst s6;
	s22 =	sadd.s32 $0x9200, s0  }
0xa: {  	s5 =	sor.u32 s1, s5;
	_ =	strace $0x80000047;
	s1 =	ssub.s32 $0x2, s1  }
0xb: {  	[dreg:$0x4] =	wrdreg s22;
	s22 =	simm.s32 $0x9000;
	s21 =	sshll.u32 s5, $0x9  }
0xc: {  	s7 =	sshrl.u32 s1, $0x1;
	s24 =	sshll.u32 s5, $0xD;
	s5 =	simm.s32 $0x0  }
0xd: {  	s6 =	sadd.s32 s21, s0;
	s0 =	sadd.s32 $0x49200, s0;
	[dreg:$0x6] =	wrdreg s24  }
0xe: {  	s23 =	ssub.s32 s1, s7;
	[dreg:$0x5] =	wrdreg s0;
	s25 =	sadd.s32 $0x1200, s6  }
0xf: {  	v0 =	vlaneseq.u32;
	s21 =	simm.s32 $0x5000;
	s26 =	sadd.s32 $0x5200, s6;
	[dreg:$0x7] =	wrdreg s25  }
0x10: {  	v1 =	vmul.u32 $0x80, v0;
	s24 =	simm.s32 $0xA000;
	s0 =	smax.u32 s23, $0x1;
	[dreg:$0x8] =	wrdreg s26  }
0x11: {  	vm0 =	vmmov $0x1;
	vm1 =	vcmask $0x308;
	vm2 =	vcmask $0x70C;
	s1 =	simm.s32 $0x8;
	s23 =	simm.s32 $0x1;
	[dreg:$0x9] =	wrdreg s0  }
0x12: {  	vm3 =	vcmask $0xB10;
	v3 =	vor.u32 $0x10, v0;
	v2 =	vor.u32 $0x800, v1;
	s25 =	simm.s32 $0x5;
	s26 =	simm.s32 $0xE000;
	s0 =	simm.s32 $0x4  }
.LBB2_1:
0x13: {  	[dreg:$0xa] =	wrdreg s5  }
0x14: {  	s4 =	simm.s32 $0x0;
	s13 =	rddreg [dreg:$0x7]  }
0x15: {  	[tilespmem:s4], [sflag:$0x9] =	stream.linear.gather [hbm4b:s13+s4], $0x1000, $0x38;
	[tilespmem:$0x12000] =	vst v63  }
0x16: {  	_ =	swait.ge [sflag:s11], $0x1000  }
0x17: {  	[sflag:s11] =	ssyncset.done $0x0  }
0x18: {  	s6 =	simm.s32 $0x1000;
	s14 =	rddreg [dreg:$0x8];
	[sflag:s11] =	ssyncadd.s32 $0xFFFFF000  }
0x19: {  	[tilespmem:s6], [sflag:$0x9] =	stream.linear.gather [hbm4b:s14+s4], $0x1000, $0x38;
	[tilespmem:$0x12000] =	vst v63  }
0x1a: {  	_ =	swait.ge [sflag:s11], $0x1000  }
0x1b: {  	[sflag:s11] =	ssyncset.done $0x0  }
0x1c: {  	[sflag:s11] =	ssyncadd.s32 $0xFFFFF000  }
0x1d: {  	v4 =	vld [tilespmem:$0x0];
	_ =	sdelay $0x4  }
0x1e: {  	v4 =	vnsel vm0, $0x0, v4  }
0x1f: {  	(xrf0) =	vadd.scan.msk.s32 $0xffff, v4;
	_ =	sdelay $0x5  }
0x20: {  	v4, _, _ =	vpop (xrf0)  }
0x21: {  	(v2sf) =	vpush v4, $0xF;
	_ =	sdelay $0xe  }
0x22: {  	s6 =	spop (v2sf)  }
0x23: {  	s5 =	sand.u32 $0xFFFFF80, s6  }
0x24: {  	s4 =	simm.s32 $0x400;
	s6 =	simm.s32 $0x7A1400;
	s5 =	sadd.s32 s2, s5  }
0x25: {  	[tilespmem:s15], [sflag:$0x1] =	stream.strided.gather [hbm4b:s5+s4], $0x1000, s6, s4, $0x38;
	[tilespmem:$0x12000] =	vst v63  }
0x26: {  	v4 =	vld [tilespmem:$0x1000];
	_ =	sdelay $0x4  }
0x27: {  	v4 =	vnsel vm0, $0x0, v4  }
0x28: {  	(xrf0) =	vadd.scan.msk.s32 $0xffff, v4;
	_ =	sdelay $0x5  }
0x29: {  	v4, _, _ =	vpop (xrf0)  }
0x2a: {  	(v2sf) =	vpush v4, $0xF;
	_ =	sdelay $0xe  }
0x2b: {  	s7 =	spop (v2sf)  }
0x2c: {  	s5 =	sand.u32 $0xFFFFF80, s7  }
0x2d: {  	s5 =	sadd.s32 s3, s5  }
0x2e: {  	[tilespmem:s16], [sflag:$0x5] =	stream.strided.gather [hbm4b:s5+s4], $0x1000, s6, s4, $0x38;
	[tilespmem:$0x12000] =	vst v63  }
0x2f: {  	v4 =	vld [tilespmem:$0x0];
	_ =	sdelay $0x4  }
0x30: {  	v4 =	vsel vm1, $0x0, v4  }
0x31: {  	(xrf0) =	vadd.scan.msk.s32 $0xffff, v4;
	_ =	sdelay $0x5  }
0x32: {  	v4, _, _ =	vpop (xrf0)  }
0x33: {  	(v2sf) =	vpush v4, $0xF;
	_ =	sdelay $0xe  }
0x34: {  	s8 =	spop (v2sf)  }
0x35: {  	s5 =	sand.u32 $0xFFFFF80, s8  }
0x36: {  	s5 =	sadd.s32 s2, s5  }
0x37: {  	[tilespmem:s17], [sflag:$0x2] =	stream.strided.gather [hbm4b:s5+s4], $0x1000, s6, s4, $0x38;
	[tilespmem:$0x12000] =	vst v63  }
0x38: {  	v4 =	vld [tilespmem:$0x1000];
	_ =	sdelay $0x4  }
0x39: {  	v4 =	vsel vm1, $0x0, v4  }
0x3a: {  	(xrf0) =	vadd.scan.msk.s32 $0xffff, v4;
	_ =	sdelay $0x5  }
0x3b: {  	v4, _, _ =	vpop (xrf0)  }
0x3c: {  	(v2sf) =	vpush v4, $0xF;
	_ =	sdelay $0xe  }
0x3d: {  	s9 =	spop (v2sf)  }
0x3e: {  	s5 =	sand.u32 $0xFFFFF80, s9  }
0x3f: {  	s5 =	sadd.s32 s3, s5  }
0x40: {  	[tilespmem:s18], [sflag:$0x6] =	stream.strided.gather [hbm4b:s5+s4], $0x1000, s6, s4, $0x38;
	[tilespmem:$0x12000] =	vst v63  }
0x41: {  	v4 =	vld [tilespmem:$0x0];
	_ =	sdelay $0x4  }
0x42: {  	v4 =	vsel vm2, $0x0, v4  }
0x43: {  	(xrf0) =	vadd.scan.msk.s32 $0xffff, v4;
	_ =	sdelay $0x5  }
0x44: {  	v4, _, _ =	vpop (xrf0)  }
0x45: {  	(v2sf) =	vpush v4, $0xF;
	_ =	sdelay $0xe  }
0x46: {  	s10 =	spop (v2sf)  }
0x47: {  	s5 =	sand.u32 $0xFFFFF80, s10  }
0x48: {  	s5 =	sadd.s32 s2, s5  }
0x49: {  	[tilespmem:s19], [sflag:$0x3] =	stream.strided.gather [hbm4b:s5+s4], $0x1000, s6, s4, $0x38;
	[tilespmem:$0x12000] =	vst v63  }
0x4a: {  	v4 =	vld [tilespmem:$0x1000];
	_ =	sdelay $0x4  }
0x4b: {  	v4 =	vsel vm2, $0x0, v4  }
0x4c: {  	(xrf0) =	vadd.scan.msk.s32 $0xffff, v4;
	_ =	sdelay $0x5  }
0x4d: {  	v4, _, _ =	vpop (xrf0)  }
0x4e: {  	(v2sf) =	vpush v4, $0xF;
	_ =	sdelay $0xe  }
0x4f: {  	s12 =	spop (v2sf)  }
0x50: {  	s5 =	sand.u32 $0xFFFFF80, s12  }
0x51: {  	s5 =	sadd.s32 s3, s5  }
0x52: {  	[tilespmem:s20], [sflag:$0x7] =	stream.strided.gather [hbm4b:s5+s4], $0x1000, s6, s4, $0x38;
	[tilespmem:$0x12000] =	vst v63  }
0x53: {  	v4 =	vld [tilespmem:$0x0];
	_ =	sdelay $0x4  }
0x54: {  	v4 =	vsel vm3, $0x0, v4  }
0x55: {  	(xrf0) =	vadd.scan.msk.s32 $0xffff, v4;
	_ =	sdelay $0x5  }
0x56: {  	v4, _, _ =	vpop (xrf0)  }
0x57: {  	(v2sf) =	vpush v4, $0xF;
	_ =	sdelay $0xe  }
0x58: {  	s13 =	spop (v2sf)  }
0x59: {  	s5 =	sand.u32 $0xFFFFF80, s13  }
0x5a: {  	s5 =	sadd.s32 s2, s5  }
0x5b: {  	[tilespmem:s21], [sflag:$0x4] =	stream.strided.gather [hbm4b:s5+s4], $0x1000, s6, s4, $0x38;
	[tilespmem:$0x12000] =	vst v63  }
0x5c: {  	v4 =	vld [tilespmem:$0x1000];
	_ =	sdelay $0x4  }
0x5d: {  	v4 =	vsel vm3, $0x0, v4  }
0x5e: {  	(xrf0) =	vadd.scan.msk.s32 $0xffff, v4;
	_ =	sdelay $0x5  }
0x5f: {  	v4, _, _ =	vpop (xrf0)  }
0x60: {  	(v2sf) =	vpush v4, $0xF;
	_ =	sdelay $0xe  }
0x61: {  	s14 =	spop (v2sf)  }
0x62: {  	s9 =	simm.s32 $0x0;
	s10 =	simm.s32 $0x0;
	s5 =	sand.u32 $0xFFFFF80, s14  }
0x63: {  	s13 =	simm.s32 $0x0;
	s14 =	simm.s32 $0x0;
	s5 =	sadd.s32 s3, s5  }
0x64: {  	[tilespmem:s22], [sflag:$0x8] =	stream.strided.gather [hbm4b:s5+s4], $0x1000, s6, s4, $0x38;
	[tilespmem:$0x12000] =	vst v63  }
.LBB2_2:
0x65: {  	_ =	swait.ge [sflag:s23], $0x1000  }
0x66: {  	[sflag:s23] =	ssyncset.done $0x0  }
0x67: {  	s8 =	sand.u32 $0xF80, s9;
	[sflag:s23] =	ssyncadd.s32 $0xFFFFF000  }
0x68: {  	v4 =	vld [tilespmem:s8+$0x0];
	_ =	sdelay $0x1  }
0x69: {  	s5 =	sand.u32 $0xC, s10  }
0x6a: {  	v5 =	vmov s5  }
0x6b: {  	vm4 =	veq.s32 v5, v0  }
0x6c: {  	v4 =	vnsel vm4, $0x0, v4  }
0x6d: {  	(xrf0) =	vadd.scan.msk.s32 $0xffff, v4;
	_ =	sdelay $0x5  }
0x6e: {  	v4, _, _ =	vpop (xrf0)  }
0x6f: {  	(v2sf) =	vpush v4, $0xF;
	_ =	sdelay $0xe  }
0x70: {  	s4 =	spop (v2sf)  }
0x71: {  	s5 =	sand.u32 $0x7F, s4  }
0x72: {  	v4 =	vor.u32 s5, v1  }
0x73: {  	v5 =	vor.u32 s5, v2;
	_ =	sdelay $0x1  }
0x74: {  	s6 =	sand.u32 $0x7C, s10  }
0x75: {  	s5 =	sshll.u32 s6, $0x7  }
0x76: {  	v6 =	vor.u32 s5, v0;
	v4 =	vld.idx.msk [tilespmem:v4+s15+$0x0], $0xffff  }
0x77: {  	v7 =	vor.u32 s5, v3;
	v5 =	vld.idx.msk [tilespmem:v5+s15+$0x0], $0xffff;
	_ =	sdelay $0x3  }
0x78: {  	[tilespmem:v6+s24+$0x0] =	vst.idx.msk $0xffff, v4  }
0x79: {  	[tilespmem:v7+s24+$0x0] =	vst.idx.msk $0xffff, v5  }
0x7a: {  	_ =	swait.ge [sflag:s25], $0x1000  }
0x7b: {  	[sflag:s25] =	ssyncset.done $0x0  }
0x7c: {  	[sflag:s25] =	ssyncadd.s32 $0xFFFFF000  }
0x7d: {  	v4 =	vld [tilespmem:s8+$0x1000];
	_ =	sdelay $0x4  }
0x7e: {  	v4 =	vnsel vm4, $0x0, v4  }
0x7f: {  	(xrf0) =	vadd.scan.msk.s32 $0xffff, v4;
	_ =	sdelay $0x5  }
0x80: {  	v4, _, _ =	vpop (xrf0)  }
0x81: {  	(v2sf) =	vpush v4, $0xF;
	_ =	sdelay $0xe  }
0x82: {  	s7 =	spop (v2sf)  }
0x83: {  	s5 =	sand.u32 $0x7F, s7  }
0x84: {  	v4 =	vor.u32 s5, v1  }
0x85: {  	v5 =	vor.u32 s5, v2;
	_ =	sdelay $0x3  }
0x86: {  	v4 =	vld.idx.msk [tilespmem:v4+s16+$0x0], $0xffff  }
0x87: {  	v5 =	vld.idx.msk [tilespmem:v5+s16+$0x0], $0xffff;
	_ =	sdelay $0x2  }
0x88: {  	p0 =	seq.s32 s10, $0x1FC  }
0x89: {  	s5 =	sadd.s32 @!p0 $0x20, s9;
	[tilespmem:v6+s26+$0x0] =	vst.idx.msk $0xffff, v4  }
0x8a: {  	s7 =	sand.u32 @!p0 $0x1F80, s5;
	[tilespmem:v7+s26+$0x0] =	vst.idx.msk $0xffff, v5  }
0x8b: {  	v5 =	vld @!p0 [tilespmem:s7+$0x0]  }
0x8c: {  	s5 =	sadd.s32 @!p0 $0x4, s10  }
0x8d: {  	s5 =	sand.u32 @!p0 $0xC, s5  }
0x8e: {  	v6 =	vmov @!p0 s5;
	v4 =	vlaneseq.u32 @!p0  }
0x8f: {  	vm4 =	veq.s32 @!p0 v6, v4  }
0x90: {  	v5 =	vnsel @!p0 vm4, $0x0, v5  }
0x91: {  	(xrf0) =	vadd.scan.msk.s32 @!p0 $0xffff, v5;
	_ =	sdelay $0x5  }
0x92: {  	v5, _, _ =	vpop @!p0 (xrf0)  }
0x93: {  	(v2sf) =	vpush @!p0 v5, $0xF;
	_ =	sdelay $0xe  }
0x94: {  	s5 =	spop @!p0 (v2sf)  }
0x95: {  	s12 =	simm.s32 @!p0 $0x2000;
	s5 =	sand.u32 @!p0 $0xFFFFF80, s5  }
0x96: {  	s6 =	simm.s32 @!p0 $0x7A1400;
	s4 =	sadd.s32 @!p0 s2, s5;
	s5 =	simm.s32 @!p0 $0x400  }
0x97: {  	[tilespmem:s12], [sflag:$0x1] =	stream.strided.gather @!p0 [hbm4b:s4+s5], $0x1000, s6, s5, $0x38;
	[tilespmem:$0x12000] =	vst v63  }
0x98: {  	v5 =	vld @!p0 [tilespmem:s7+$0x1000];
	_ =	sdelay $0x4  }
0x99: {  	v5 =	vnsel @!p0 vm4, $0x0, v5  }
0x9a: {  	(xrf0) =	vadd.scan.msk.s32 @!p0 $0xffff, v5;
	_ =	sdelay $0x5  }
0x9b: {  	v5, _, _ =	vpop @!p0 (xrf0)  }
0x9c: {  	(v2sf) =	vpush @!p0 v5, $0xF;
	_ =	sdelay $0xe  }
0x9d: {  	s4 =	spop @!p0 (v2sf)  }
0x9e: {  	s4 =	sand.u32 @!p0 $0xFFFFF80, s4  }
0x9f: {  	s7 =	simm.s32 @!p0 $0x6000;
	s4 =	sadd.s32 @!p0 s3, s4  }
0xa0: {  	[tilespmem:s7], [sflag:$0x5] =	stream.strided.gather @!p0 [hbm4b:s4+s5], $0x1000, s6, s5, $0x38;
	[tilespmem:$0x12000] =	vst v63  }
0xa1: {  	_ =	swait.ge [sflag:s28], $0x1000  }
0xa2: {  	[sflag:s28] =	ssyncset.done $0x0  }
0xa3: {  	[sflag:s28] =	ssyncadd.s32 $0xFFFFF000  }
0xa4: {  	v5 =	vld [tilespmem:s8+$0x0]  }
0xa5: {  	s4 =	sadd.s32 $0x1, s10  }
0xa6: {  	s12 =	sand.u32 $0xD, s4  }
0xa7: {  	v50 =	vmov s12  }
0xa8: {  	vm4 =	veq.s32 v50, v0  }
0xa9: {  	v5 =	vnsel vm4, $0x0, v5  }
0xaa: {  	(xrf0) =	vadd.scan.msk.s32 $0xffff, v5;
	_ =	sdelay $0x5  }
0xab: {  	v5, _, _ =	vpop (xrf0)  }
0xac: {  	(v2sf) =	vpush v5, $0xF;
	_ =	sdelay $0xe  }
0xad: {  	s12 =	spop (v2sf)  }
0xae: {  	s7 =	sand.u32 $0x7F, s12  }
0xaf: {  	v5 =	vor.u32 s7, v1  }
0xb0: {  	v51 =	vor.u32 s7, v2;
	_ =	sdelay $0x1  }
0xb1: {  	s4 =	sand.u32 $0x7D, s4  }
0xb2: {  	s4 =	sshll.u32 s4, $0x7  }
0xb3: {  	v52 =	vor.u32 s4, v0;
	v5 =	vld.idx.msk [tilespmem:v5+s17+$0x0], $0xffff  }
0xb4: {  	v8 =	vor.u32 s4, v3;
	v6 =	vld.idx.msk [tilespmem:v51+s17+$0x0], $0xffff;
	_ =	sdelay $0x3  }
0xb5: {  	[tilespmem:v52+s24+$0x0] =	vst.idx.msk $0xffff, v5  }
0xb6: {  	[tilespmem:v8+s24+$0x0] =	vst.idx.msk $0xffff, v6  }
0xb7: {  	_ =	swait.ge [sflag:s29], $0x1000  }
0xb8: {  	[sflag:s29] =	ssyncset.done $0x0  }
0xb9: {  	[sflag:s29] =	ssyncadd.s32 $0xFFFFF000  }
0xba: {  	v5 =	vld [tilespmem:s8+$0x1000];
	_ =	sdelay $0x4  }
0xbb: {  	v5 =	vnsel vm4, $0x0, v5  }
0xbc: {  	(xrf0) =	vadd.scan.msk.s32 $0xffff, v5;
	_ =	sdelay $0x5  }
0xbd: {  	v5, _, _ =	vpop (xrf0)  }
0xbe: {  	(v2sf) =	vpush v5, $0xF;
	_ =	sdelay $0xe  }
0xbf: {  	s7 =	spop (v2sf)  }
0xc0: {  	s4 =	sand.u32 $0x7F, s7  }
0xc1: {  	v5 =	vor.u32 s4, v1  }
0xc2: {  	v53 =	vor.u32 s4, v2;
	_ =	sdelay $0x3  }
0xc3: {  	v5 =	vld.idx.msk [tilespmem:v5+s18+$0x0], $0xffff  }
0xc4: {  	v6 =	vld.idx.msk [tilespmem:v53+s18+$0x0], $0xffff;
	_ =	sdelay $0x3  }
0xc5: {  	s4 =	sadd.s32 @!p0 $0x28, s9;
	[tilespmem:v52+s26+$0x0] =	vst.idx.msk $0xffff, v5  }
0xc6: {  	s4 =	sand.u32 @!p0 $0x1F80, s4;
	[tilespmem:v8+s26+$0x0] =	vst.idx.msk $0xffff, v6  }
0xc7: {  	v5 =	vld @!p0 [tilespmem:s4+$0x0]  }
0xc8: {  	s7 =	sadd.s32 @!p0 $0x5, s10  }
0xc9: {  	s7 =	sand.u32 @!p0 $0xD, s7  }
0xca: {  	v6 =	vmov @!p0 s7  }
0xcb: {  	vm4 =	veq.s32 @!p0 v6, v4  }
0xcc: {  	v5 =	vnsel @!p0 vm4, $0x0, v5  }
0xcd: {  	(xrf0) =	vadd.scan.msk.s32 @!p0 $0xffff, v5;
	_ =	sdelay $0x5  }
0xce: {  	v5, _, _ =	vpop @!p0 (xrf0)  }
0xcf: {  	(v2sf) =	vpush @!p0 v5, $0xF;
	_ =	sdelay $0xe  }
0xd0: {  	s7 =	spop @!p0 (v2sf)  }
0xd1: {  	s7 =	sand.u32 @!p0 $0xFFFFF80, s7  }
0xd2: {  	s12 =	simm.s32 @!p0 $0x3000;
	s7 =	sadd.s32 @!p0 s2, s7  }
0xd3: {  	[tilespmem:s12], [sflag:$0x2] =	stream.strided.gather @!p0 [hbm4b:s7+s5], $0x1000, s6, s5, $0x38;
	[tilespmem:$0x12000] =	vst v63  }
0xd4: {  	v5 =	vld @!p0 [tilespmem:s4+$0x1000];
	_ =	sdelay $0x4  }
0xd5: {  	v5 =	vnsel @!p0 vm4, $0x0, v5  }
0xd6: {  	(xrf0) =	vadd.scan.msk.s32 @!p0 $0xffff, v5;
	_ =	sdelay $0x5  }
0xd7: {  	v5, _, _ =	vpop @!p0 (xrf0)  }
0xd8: {  	(v2sf) =	vpush @!p0 v5, $0xF;
	_ =	sdelay $0xe  }
0xd9: {  	s4 =	spop @!p0 (v2sf)  }
0xda: {  	s4 =	sand.u32 @!p0 $0xFFFFF80, s4  }
0xdb: {  	s7 =	simm.s32 @!p0 $0x7000;
	s4 =	sadd.s32 @!p0 s3, s4  }
0xdc: {  	[tilespmem:s7], [sflag:$0x6] =	stream.strided.gather @!p0 [hbm4b:s4+s5], $0x1000, s6, s5, $0x38;
	[tilespmem:$0x12000] =	vst v63  }
0xdd: {  	_ =	swait.ge [sflag:s30], $0x1000  }
0xde: {  	[sflag:s30] =	ssyncset.done $0x0  }
0xdf: {  	[sflag:s30] =	ssyncadd.s32 $0xFFFFF000  }
0xe0: {  	v5 =	vld [tilespmem:s8+$0x0]  }
0xe1: {  	s4 =	sadd.s32 $0x2, s10  }
0xe2: {  	s12 =	sand.u32 $0xE, s4  }
0xe3: {  	v54 =	vmov s12  }
0xe4: {  	vm4 =	veq.s32 v54, v0  }
0xe5: {  	v5 =	vnsel vm4, $0x0, v5  }
0xe6: {  	(xrf0) =	vadd.scan.msk.s32 $0xffff, v5;
	_ =	sdelay $0x5  }
0xe7: {  	v5, _, _ =	vpop (xrf0)  }
0xe8: {  	(v2sf) =	vpush v5, $0xF;
	_ =	sdelay $0xe  }
0xe9: {  	s12 =	spop (v2sf)  }
0xea: {  	s7 =	sand.u32 $0x7F, s12  }
0xeb: {  	v5 =	vor.u32 s7, v1  }
0xec: {  	v55 =	vor.u32 s7, v2;
	_ =	sdelay $0x1  }
0xed: {  	s4 =	sand.u32 $0x7E, s4  }
0xee: {  	s4 =	sshll.u32 s4, $0x7  }
0xef: {  	v56 =	vor.u32 s4, v0;
	v5 =	vld.idx.msk [tilespmem:v5+s19+$0x0], $0xffff  }
0xf0: {  	v57 =	vor.u32 s4, v3;
	v6 =	vld.idx.msk [tilespmem:v55+s19+$0x0], $0xffff;
	_ =	sdelay $0x3  }
0xf1: {  	[tilespmem:v56+s24+$0x0] =	vst.idx.msk $0xffff, v5  }
0xf2: {  	[tilespmem:v57+s24+$0x0] =	vst.idx.msk $0xffff, v6  }
0xf3: {  	_ =	swait.ge [sflag:s31], $0x1000  }
0xf4: {  	[sflag:s31] =	ssyncset.done $0x0  }
0xf5: {  	[sflag:s31] =	ssyncadd.s32 $0xFFFFF000  }
0xf6: {  	v5 =	vld [tilespmem:s8+$0x1000];
	_ =	sdelay $0x4  }
0xf7: {  	v5 =	vnsel vm4, $0x0, v5  }
0xf8: {  	(xrf0) =	vadd.scan.msk.s32 $0xffff, v5;
	_ =	sdelay $0x5  }
0xf9: {  	v5, _, _ =	vpop (xrf0)  }
0xfa: {  	(v2sf) =	vpush v5, $0xF;
	_ =	sdelay $0xe  }
0xfb: {  	s7 =	spop (v2sf)  }
0xfc: {  	s4 =	sand.u32 $0x7F, s7  }
0xfd: {  	v5 =	vor.u32 s4, v1  }
0xfe: {  	v58 =	vor.u32 s4, v2;
	_ =	sdelay $0x3  }
0xff: {  	v5 =	vld.idx.msk [tilespmem:v5+s20+$0x0], $0xffff  }
0x100: {  	v6 =	vld.idx.msk [tilespmem:v58+s20+$0x0], $0xffff;
	_ =	sdelay $0x3  }
0x101: {  	s4 =	sadd.s32 @!p0 $0x30, s9;
	[tilespmem:v56+s26+$0x0] =	vst.idx.msk $0xffff, v5  }
0x102: {  	s4 =	sand.u32 @!p0 $0x1F80, s4;
	[tilespmem:v57+s26+$0x0] =	vst.idx.msk $0xffff, v6  }
0x103: {  	v5 =	vld @!p0 [tilespmem:s4+$0x0]  }
0x104: {  	s7 =	sadd.s32 @!p0 $0x6, s10  }
0x105: {  	s7 =	sand.u32 @!p0 $0xE, s7  }
0x106: {  	v6 =	vmov @!p0 s7  }
0x107: {  	vm4 =	veq.s32 @!p0 v6, v4  }
0x108: {  	v5 =	vnsel @!p0 vm4, $0x0, v5  }
0x109: {  	(xrf0) =	vadd.scan.msk.s32 @!p0 $0xffff, v5;
	_ =	sdelay $0x5  }
0x10a: {  	v5, _, _ =	vpop @!p0 (xrf0)  }
0x10b: {  	(v2sf) =	vpush @!p0 v5, $0xF;
	_ =	sdelay $0xe  }
0x10c: {  	s7 =	spop @!p0 (v2sf)  }
0x10d: {  	s7 =	sand.u32 @!p0 $0xFFFFF80, s7  }
0x10e: {  	s12 =	simm.s32 @!p0 $0x4000;
	s7 =	sadd.s32 @!p0 s2, s7  }
0x10f: {  	[tilespmem:s12], [sflag:$0x3] =	stream.strided.gather @!p0 [hbm4b:s7+s5], $0x1000, s6, s5, $0x38;
	[tilespmem:$0x12000] =	vst v63  }
0x110: {  	v5 =	vld @!p0 [tilespmem:s4+$0x1000];
	_ =	sdelay $0x4  }
0x111: {  	v5 =	vnsel @!p0 vm4, $0x0, v5  }
0x112: {  	(xrf0) =	vadd.scan.msk.s32 @!p0 $0xffff, v5;
	_ =	sdelay $0x5  }
0x113: {  	v5, _, _ =	vpop @!p0 (xrf0)  }
0x114: {  	(v2sf) =	vpush @!p0 v5, $0xF;
	_ =	sdelay $0xe  }
0x115: {  	s4 =	spop @!p0 (v2sf)  }
0x116: {  	s4 =	sand.u32 @!p0 $0xFFFFF80, s4  }
0x117: {  	s7 =	simm.s32 @!p0 $0x8000;
	s4 =	sadd.s32 @!p0 s3, s4  }
0x118: {  	[tilespmem:s7], [sflag:$0x7] =	stream.strided.gather @!p0 [hbm4b:s4+s5], $0x1000, s6, s5, $0x38;
	[tilespmem:$0x12000] =	vst v63  }
0x119: {  	_ =	swait.ge [sflag:s0], $0x1000  }
0x11a: {  	[sflag:s0] =	ssyncset.done $0x0  }
0x11b: {  	[sflag:s0] =	ssyncadd.s32 $0xFFFFF000  }
0x11c: {  	v5 =	vld [tilespmem:s8+$0x0]  }
0x11d: {  	s4 =	sadd.s32 $0x3, s10  }
0x11e: {  	s12 =	sand.u32 $0xF, s4  }
0x11f: {  	v59 =	vmov s12  }
0x120: {  	vm4 =	veq.s32 v59, v0  }
0x121: {  	v5 =	vnsel vm4, $0x0, v5  }
0x122: {  	(xrf0) =	vadd.scan.msk.s32 $0xffff, v5;
	_ =	sdelay $0x5  }
0x123: {  	v5, _, _ =	vpop (xrf0)  }
0x124: {  	(v2sf) =	vpush v5, $0xF;
	_ =	sdelay $0xe  }
0x125: {  	s12 =	spop (v2sf)  }
0x126: {  	s7 =	sand.u32 $0x7F, s12  }
0x127: {  	v5 =	vor.u32 s7, v1  }
0x128: {  	v60 =	vor.u32 s7, v2;
	_ =	sdelay $0x1  }
0x129: {  	s4 =	sand.u32 $0x7F, s4  }
0x12a: {  	s4 =	sshll.u32 s4, $0x7  }
0x12b: {  	v61 =	vor.u32 s4, v0;
	v5 =	vld.idx.msk [tilespmem:v5+s21+$0x0], $0xffff  }
0x12c: {  	v62 =	vor.u32 s4, v3;
	v6 =	vld.idx.msk [tilespmem:v60+s21+$0x0], $0xffff;
	_ =	sdelay $0x3  }
0x12d: {  	[tilespmem:v61+s24+$0x0] =	vst.idx.msk $0xffff, v5  }
0x12e: {  	[tilespmem:v62+s24+$0x0] =	vst.idx.msk $0xffff, v6  }
0x12f: {  	_ =	swait.ge [sflag:s1], $0x1000  }
0x130: {  	[sflag:s1] =	ssyncset.done $0x0  }
0x131: {  	[sflag:s1] =	ssyncadd.s32 $0xFFFFF000  }
0x132: {  	v5 =	vld [tilespmem:s8+$0x1000];
	_ =	sdelay $0x4  }
0x133: {  	v5 =	vnsel vm4, $0x0, v5  }
0x134: {  	(xrf0) =	vadd.scan.msk.s32 $0xffff, v5;
	_ =	sdelay $0x5  }
0x135: {  	v5, _, _ =	vpop (xrf0)  }
0x136: {  	(v2sf) =	vpush v5, $0xF;
	_ =	sdelay $0xe  }
0x137: {  	s12 =	spop (v2sf)  }
0x138: {  	s4 =	sand.u32 $0x7F, s12  }
0x139: {  	v5 =	vor.u32 s4, v1  }
0x13a: {  	v63 =	vor.u32 s4, v2;
	_ =	sdelay $0x3  }
0x13b: {  	v5 =	vld.idx.msk [tilespmem:v5+s22+$0x0], $0xffff  }
0x13c: {  	v6 =	vld.idx.msk [tilespmem:v63+s22+$0x0], $0xffff;
	_ =	sdelay $0x3  }
0x13d: {  	s4 =	sadd.s32 @!p0 $0x38, s9;
	[tilespmem:v61+s26+$0x0] =	vst.idx.msk $0xffff, v5  }
0x13e: {  	s4 =	sand.u32 @!p0 $0x1F80, s4;
	[tilespmem:v62+s26+$0x0] =	vst.idx.msk $0xffff, v6  }
0x13f: {  	v5 =	vld @!p0 [tilespmem:s4+$0x0]  }
0x140: {  	s7 =	sadd.s32 @!p0 $0x7, s10  }
0x141: {  	s7 =	sand.u32 @!p0 $0xF, s7  }
0x142: {  	v6 =	vmov @!p0 s7  }
0x143: {  	vm4 =	veq.s32 @!p0 v6, v4  }
0x144: {  	v4 =	vnsel @!p0 vm4, $0x0, v5  }
0x145: {  	(xrf0) =	vadd.scan.msk.s32 @!p0 $0xffff, v4;
	_ =	sdelay $0x5  }
0x146: {  	v4, _, _ =	vpop @!p0 (xrf0)  }
0x147: {  	(v2sf) =	vpush @!p0 v4, $0xF;
	_ =	sdelay $0xe  }
0x148: {  	s7 =	spop @!p0 (v2sf)  }
0x149: {  	s7 =	sand.u32 @!p0 $0xFFFFF80, s7  }
0x14a: {  	s8 =	simm.s32 @!p0 $0x5000;
	s7 =	sadd.s32 @!p0 s2, s7  }
0x14b: {  	[tilespmem:s8], [sflag:$0x4] =	stream.strided.gather @!p0 [hbm4b:s7+s5], $0x1000, s6, s5, $0x38;
	[tilespmem:$0x12000] =	vst v63  }
0x14c: {  	v4 =	vld @!p0 [tilespmem:s4+$0x1000];
	_ =	sdelay $0x4  }
0x14d: {  	v4 =	vnsel @!p0 vm4, $0x0, v4  }
0x14e: {  	(xrf0) =	vadd.scan.msk.s32 @!p0 $0xffff, v4;
	_ =	sdelay $0x5  }
0x14f: {  	v4, _, _ =	vpop @!p0 (xrf0)  }
0x150: {  	(v2sf) =	vpush @!p0 v4, $0xF;
	_ =	sdelay $0xe  }
0x151: {  	s4 =	spop @!p0 (v2sf)  }
0x152: {  	s4 =	sand.u32 @!p0 $0xFFFFF80, s4  }
0x153: {  	s7 =	simm.s32 @!p0 $0x9000;
	s4 =	sadd.s32 @!p0 s3, s4  }
0x154: {  	[tilespmem:s7], [sflag:$0x8] =	stream.strided.gather @!p0 [hbm4b:s4+s5], $0x1000, s6, s5, $0x38;
	[tilespmem:$0x12000] =	vst v63  }
0x155: {  	s4 =	sand.u32 @!p0 $0x1F, s14  }
0x156: {  	p1 =	sne.s32 @!p0 s4, $0x1F  }
0x157: {  	p0 =	por p0, !p1  }
0x158: {  	s4 =	sand.u32 @p0 $0x1800, s13;
	s5 =	rddreg @p0 [dreg:$0x6]  }
0x159: {  	s4 =	sor.u32 @p0 s5, s4;
	s5 =	rddreg @p0 [dreg:$0x4]  }
0x15a: {  	s6 =	simm.s32 @p0 $0x0;
	s5 =	sadd.s32 @p0 s5, s4  }
0x15b: {  	[hbm4b:s5+s6] =	stream.linear.scatter @p0 [tilespmem:s24], [sflag:$0xA], $0x4000, $0x38;
	[tilespmem:$0x12000] =	vst v63  }
0x15c: {  	s5 =	simm.s32 @p0 $0xA  }
0x15d: {  	_ =	swait.ge @p0 [sflag:s5], $0x4000  }
0x15e: {  	[sflag:s5] =	ssyncset.done @p0 $0x0  }
0x15f: {  	[sflag:s5] =	ssyncadd.s32 @p0 $0xFFFFC000;
	s5 =	rddreg @p0 [dreg:$0x5]  }
0x160: {  	s4 =	sadd.s32 @p0 s5, s4  }
0x161: {  	[hbm4b:s4+s6] =	stream.linear.scatter @p0 [tilespmem:s26], [sflag:$0x9], $0x4000, $0x38;
	[tilespmem:$0x12000] =	vst v63  }
0x162: {  	_ =	swait.ge @p0 [sflag:s11], $0x4000  }
0x163: {  	s10 =	sadd.s32 $0x4, s10;
	[sflag:s11] =	ssyncset.done @p0 $0x0  }
0x164: {  	[sflag:s11] =	ssyncadd.s32 @p0 $0xFFFFC000;
	p0 =	sne.s32 s10, $0x200  }
.Ltmp0:
0x165: {  	_ = 	snop;
	(pc) =	sbr.rel @p0 .LBB2_2-.Ltmp0, $2  }
0x166: {  	_ =	sdelay $0x2  }
0x167: {  	s9 =	sadd.s32 $0x20, s9;
	s14 =	sadd.s32 $0x1, s14;
	s13 =	sadd.s32 $0x40, s13  }
0x168: {  	s5 =	rddreg [dreg:$0xa]  }
0x169: {  	s4 =	rddreg [dreg:$0x9];
	s5 =	sadd.s32 $0x1, s5  }
0x16a: {  	p0 =	sne.s32 s5, s4  }
.Ltmp1:
0x16b: {  	_ = 	snop;
	(pc) =	sbr.rel @p0 .LBB2_1-.Ltmp1, $1  }
0x16c: {  	_ =	sdelay $0x3  }
0x16d: {  	_ =	sfence.sel $0x180000  }
0x16e: {  	[bflag:$0x0] =	sbarrier.arrive $0xFFFF  }
0x16f: {  	_ =	strace $0x90000047  }
0x170: {  	s0 =	stileid.u32;
	[bflag:$0x2] =	sbarrier.arrive $0xFFFF  }
0x171: {  	p0 =	sne.s32 s0, $0x0;
	s0 =	rddreg [dreg:$0x3]  }
0x172: {  	s0 =	sadd.s32 @!p0 $0x100000, s0  }
0x173: {  	[sflag:s0] =	ssyncadd.tile.s32 @!p0 $0x1;
	_ =	shalt  }
.Lfunc_end2:
_tile_overlayer_lowered:
.L_overlay_start_2:
0x174: {  	(tag) =	ssettag $0x2  }
0x175: {  	s0 =	rddreg [dreg:$0x0];
	s2 =	stileid.u32  }
0x176: {  	s1 =	rddreg [dreg:$0x1];
	p0 =	sne.s32 s2, $0x0  }
0x177: {  	s3 =	rddreg [dreg:$0x2];
	[bflag:$0x3] =	sbarrier.arrive $0xFFFF;
	s2 =	simm.s32 @!p0 $0x1C09  }
0x178: {  	[timem:s3], [sflag:s2] =	dma.local @!p0 [hbm:s0], s1  }
0x179: {  	s0 =	simm.s32 @!p0 $0x9  }
0x17a: {  	_ =	swait.ge @!p0 [sflag:s0], s1  }
0x17b: {  	s1 =	ssub.s32 @!p0 $0x0, s1;
	[sflag:s0] =	ssyncset.done @!p0 $0x0  }
0x17c: {  	[sflag:s0] =	ssyncadd.s32 @!p0 s1  }
0x17d: {  	[bflag:$0x3] =	sbarrier.arrive $0xFFFF  }
0x17e: {  	_ =	shalt  }

</sc_bundles>
